<compile_context>
chip_gen: v7x
topology: tpu7x:2x2x1
jax: 0.10.2.dev20260603
libtpu: 0.0.44.dev20260713+nightly
codegen_flags: <defaults>
</compile_context>

<pallas_src>
import jax
import jax.numpy as jnp
from jax.experimental import pallas as pl
from jax.experimental.pallas import tpu as pltpu
from jax.experimental.pallas import tpu_sc as plsc

B, A, H = 512, 16, 128
K = 19
I_ROW = 3
BALL = A - 1
BB = 128
NB = B // BB
BK = BB * K

_NC = 2
_NS = 16
_NW = _NC * _NS
_BPW = B // _NW
_LANES = 16


def _dot(a, b):
    return jax.lax.dot_general(
        a.astype(jnp.bfloat16), b.astype(jnp.bfloat16),
        (((1,), (0,)), ((), ())),
        preferred_element_type=jnp.float32)



def _sc_body(s3_hbm, s15_hbm, ae_hbm, pe_hbm, idx_hbm, out_hbm,
             i_v, aer_v, per_v, row_v):
    wid = jax.lax.axis_index("s") * _NC + jax.lax.axis_index("c")
    base = wid * _BPW
    pltpu.sync_copy(idx_hbm.at[pl.ds(base, _BPW)], i_v)
    pltpu.sync_copy(ae_hbm.at[i_v], aer_v)
    pltpu.sync_copy(pe_hbm.at[i_v], per_v)
    pltpu.sync_copy(s3_hbm.at[pl.ds(base, _BPW)], row_v.at[:, :H])
    pltpu.sync_copy(s15_hbm.at[pl.ds(base, _BPW)], row_v.at[:, H:])

    @pl.loop(0, _BPW)
    def _row(r):
        @pl.loop(0, H, step=_LANES)
        def _col(c):
            src = (pl.ds(r, 1), pl.ds(c, _LANES))
            d3 = (pl.ds(r, 1), pl.ds(c, _LANES))
            d15 = (pl.ds(r, 1), pl.ds(H + c, _LANES))
            row_v.at[*d3][...] = row_v.at[*d3][...] + aer_v.at[*src][...]
            row_v.at[*d15][...] = row_v.at[*d15][...] + per_v.at[*src][...]

    pltpu.sync_copy(row_v, out_hbm.at[pl.ds(base, _BPW)])


def _sc_state_update(s3_all, s15_all, ae, pe, idx):
    mesh = plsc.VectorSubcoreMesh(core_axis_name="c", subcore_axis_name="s")
    run = pl.kernel(
        _sc_body,
        out_type=jax.ShapeDtypeStruct((B, 2 * H), jnp.float32),
        mesh=mesh,
        scratch_types=[
            pltpu.VMEM((_BPW,), jnp.int32),
            pltpu.VMEM((_BPW, H), jnp.float32),
            pltpu.VMEM((_BPW, H), jnp.float32),
            pltpu.VMEM((_BPW, 2 * H), jnp.float32),
        ],
    )
    return run(s3_all, s15_all, ae, pe, idx)



def _tc_body(state_ref, s3_ref, s15_ref, ae_ref, pe_ref, mask_ref, act_ref,
             W1_ref, b1_ref, W2_ref, b2_ref, L1_ref, lb1_ref, L2_ref,
             lb2_ref,
             dec_g_ref, logit_ref):
    x = state_ref[...]
    mask = mask_ref[...]
    s3 = s3_ref[...]
    s15 = s15_ref[...]
    W1 = W1_ref[...]
    b1 = b1_ref[...]
    W2 = W2_ref[...]
    b2 = b2_ref[...]

    xa = x.reshape(BB * A, H)
    h = jnp.maximum(_dot(xa, W1) + b1, 0.0)
    base = (_dot(h, W2) + b2).reshape(BB, A, 2 * H)
    base = base * mask[:, :, None]

    aid = jax.lax.broadcasted_iota(jnp.int32, (BB, A, 1), 1)
    excl = (aid == I_ROW) | (aid == BALL)
    sum_rest = jnp.sum(jnp.where(excl, 0.0, base[:, :, :H]), axis=1)
    max_rest = jnp.max(jnp.where(excl, -jnp.inf, base[:, :, H:]), axis=1)

    r0 = jax.lax.broadcasted_iota(jnp.int32, (BK, BB), 0)
    c0 = jax.lax.broadcasted_iota(jnp.int32, (BK, BB), 1)
    E = (r0 // K == c0).astype(jnp.bfloat16)
    m3 = mask[:, I_ROW:I_ROW + 1]
    m15 = mask[:, BALL:BALL + 1]
    stacked = jnp.concatenate([s3, s15, sum_rest, max_rest, m3, m15], axis=1)
    rep = _dot(E, stacked)
    s3_rep = rep[:, 0:H]
    s15_rep = rep[:, H:2 * H]
    sum_rep = rep[:, 2 * H:3 * H]
    max_rep = rep[:, 3 * H:4 * H]
    m3_rep = rep[:, 4 * H:4 * H + 1]
    m15_rep = rep[:, 4 * H + 1:4 * H + 2]

    ae = ae_ref[...]
    pe = pe_ref[...]
    inp2 = jnp.concatenate([s3_rep + ae, s15_rep + pe], axis=0)
    h2 = jnp.maximum(_dot(inp2, W1) + b1, 0.0)
    dec2 = _dot(h2, W2) + b2
    act_dec = dec2[:BK] * m3_rep
    pas_dec = dec2[BK:] * m15_rep

    d_avr = (sum_rep + act_dec[:, :H] + pas_dec[:, :H]) * (1.0 / A)
    d_max = jnp.maximum(max_rep,
                        jnp.maximum(act_dec[:, H:], pas_dec[:, H:]))
    dec = jnp.concatenate([d_avr, d_max], axis=-1)

    z = jnp.maximum(_dot(dec, L1_ref[...]) + lb1_ref[...], 0.0)
    logit_ref[...] = _dot(z, L2_ref[...]) + lb2_ref[0]

    a_col = act_ref[...]
    rb = jax.lax.broadcasted_iota(jnp.int32, (BB, BK), 0)
    cr = jax.lax.broadcasted_iota(jnp.int32, (BB, BK), 1)
    cb = cr // K
    ck = cr - cb * K
    G = ((cb == rb) & (ck == a_col)).astype(jnp.bfloat16)
    dec_g_ref[...] = _dot(G, dec)


def kernel(i, state, active_embed, passive_embed, alive_mask, action_mask,
           action, W1, b1, W2, b2, L1, lb1, L2, lb2):
    ae = active_embed.reshape(B * K, H)
    pe = passive_embed.reshape(B * K, H)
    s3_all = state[:, I_ROW, :]
    s15_all = state[:, BALL, :]
    act_i32 = action.astype(jnp.int32)
    act2 = act_i32.reshape(B, 1)
    idx = jnp.arange(B, dtype=jnp.int32) * K + act_i32
    b1r = b1.reshape(1, H)
    b2r = b2.reshape(1, 2 * H)
    lb1r = lb1.reshape(1, H)

    upd = _sc_state_update(s3_all, s15_all, ae, pe, idx)
    state_out = state.at[:, I_ROW, :].set(upd[:, :H]) \
                     .at[:, BALL, :].set(upd[:, H:])

    dec_g, logit = pl.pallas_call(
        _tc_body,
        grid=(NB,),
        in_specs=[
            pl.BlockSpec((BB, A, H), lambda b: (b, 0, 0)),
            pl.BlockSpec((BB, H), lambda b: (b, 0)),
            pl.BlockSpec((BB, H), lambda b: (b, 0)),
            pl.BlockSpec((BK, H), lambda b: (b, 0)),
            pl.BlockSpec((BK, H), lambda b: (b, 0)),
            pl.BlockSpec((BB, A), lambda b: (b, 0)),
            pl.BlockSpec((BB, 1), lambda b: (b, 0)),
            pl.BlockSpec((H, H), lambda b: (0, 0)),
            pl.BlockSpec((1, H), lambda b: (0, 0)),
            pl.BlockSpec((H, 2 * H), lambda b: (0, 0)),
            pl.BlockSpec((1, 2 * H), lambda b: (0, 0)),
            pl.BlockSpec((2 * H, H), lambda b: (0, 0)),
            pl.BlockSpec((1, H), lambda b: (0, 0)),
            pl.BlockSpec((H, 1), lambda b: (0, 0)),
            pl.BlockSpec(memory_space=pltpu.SMEM),
        ],
        out_specs=[
            pl.BlockSpec((BB, 2 * H), lambda b: (b, 0)),
            pl.BlockSpec((BK, 1), lambda b: (b, 0)),
        ],
        out_shape=[
            jax.ShapeDtypeStruct((B, 2 * H), jnp.float32),
            jax.ShapeDtypeStruct((B * K, 1), jnp.float32),
        ],
        compiler_params=pltpu.CompilerParams(
            dimension_semantics=("parallel",)),
    )(state, s3_all, s15_all, ae, pe, alive_mask, act2,
      W1, b1r, W2, b2r, L1, lb1r, L2, lb2)

    return (state_out, dec_g.reshape(B, 1, 2 * H),
            logit.reshape(B, K), action)

# --- scband reference (transcript-rebuilt; emitter-appended) ---
"""Pipeline reference for scband-decision-encoder-83245056131246 (READ-ONLY COPY).

The authoritative reference and input builder live on the scoring server;
editing this copy changes nothing except your own understanding.
"""

import jax, jax.numpy as jnp
import numpy as np

B, A, H = 512, 16, 128

def _mlp(x, W1, b1, W2, b2):
    return jax.nn.relu(x @ W1 + b1) @ W2 + b2

def setup_inputs(seed: int = 0) -> dict:
    key = jax.random.key(seed)
    ks = jax.random.split(key, 12)
    inp = {}
    inp['i'] = 3
    inp['state'] = jax.random.normal(ks[0], (B, A, H), dtype=jnp.float32)
    inp['active_embed'] = jax.random.normal(ks[1], (B, 1, 19, H), dtype=jnp.float32)
    inp['passive_embed'] = jax.random.normal(ks[2], (B, 1, 19, H), dtype=jnp.float32)
    inp['alive_mask'] = jnp.ones((B, A), dtype=jnp.float32)
    inp['action_mask'] = jnp.ones((B, 19), dtype=jnp.float32)
    inp['action'] = jax.random.randint(ks[3], (B,), 0, 19)
    inp['W1'] = jax.random.normal(ks[4], (H, H), dtype=jnp.float32) * 0.05
    inp['b1'] = jnp.zeros((H,), dtype=jnp.float32)
    inp['W2'] = jax.random.normal(ks[5], (H, 2 * H), dtype=jnp.float32) * 0.05
    inp['b2'] = jnp.zeros((2 * H,), dtype=jnp.float32)
    inp['L1'] = jax.random.normal(ks[6], (2 * H, H), dtype=jnp.float32) * 0.05
    inp['lb1'] = jnp.zeros((H,), dtype=jnp.float32)
    inp['L2'] = jax.random.normal(ks[7], (H, 1), dtype=jnp.float32) * 0.05
    inp['lb2'] = jnp.zeros((1,), dtype=jnp.float32)
    return inp

def reference(i, state, active_embed, passive_embed, alive_mask, action_mask, action, W1, b1, W2, b2, L1, lb1, L2, lb2):
    batch_size, agent_num, hidden_len = state.shape
    ball = agent_num - 1
    # decision = mlp(state).unsqueeze(2).repeat(1,1,19,1)
    decision = jnp.broadcast_to(_mlp(state, W1, b1, W2, b2)[:, :, None, :], (batch_size, agent_num, 19, 2 * hidden_len))
    # active agent row scatter-overwrite
    active_state = jax.lax.dynamic_slice_in_dim(state, i, 1, axis=1)[:, :, None, :] + active_embed  # [B,1,19,H]
    active_decision = _mlp(active_state, W1, b1, W2, b2)       # [B,1,19,2H]
    decision = decision.at[:, i, :, :].set(active_decision[:, 0])
    # passive (ball) row scatter-overwrite
    passive_state = state[:, ball:ball + 1, None, :] + passive_embed
    passive_decision = _mlp(passive_state, W1, b1, W2, b2)
    decision = decision.at[:, ball, :, :].set(passive_decision[:, 0])
    d_avr, d_max = jnp.split(decision, 2, axis=-1)
    d_avr = (d_avr * alive_mask[:, :, None, None]).mean(axis=1)          # [B,19,H]
    d_max = (d_max * alive_mask[:, :, None, None]).max(axis=1)           # [B,19,H]
    dec = jnp.concatenate([d_avr, d_max], axis=-1)                        # [B,19,2H]
    logit = (jax.nn.relu(dec @ L1 + lb1) @ L2 + lb2)[..., 0]              # [B,19]
    # gather chosen action embeds + scatter_add into state
    idx4 = action[:, None, None, None]
    ae = jnp.take_along_axis(active_embed, idx4, axis=2)[:, :, 0, :]      # [B,1,H]
    state = state.at[:, i, :].add(ae[:, 0, :])
    pe = jnp.take_along_axis(passive_embed, idx4, axis=2)[:, :, 0, :]
    state = state.at[:, ball, :].add(pe[:, 0, :])
    dec_g = jnp.take_along_axis(dec, action[:, None, None], axis=1)       # [B,1,2H]
    return (state, dec_g, logit, action)

if __name__ == "__main__":
    import jax
    _d = setup_inputs()
    print(jax.jit(kernel)(*tuple(_d.values())))

</pallas_src>

<mosaic_0001>
#map = affine_map<(d0, d1) -> (0, 0)>
#map1 = affine_map<(d0, d1) -> (0)>
module attributes {stable_mosaic.version = 14 : i64} {
  func.func @_sc_body(%arg0: i32, %arg1: i32, %arg2: memref<512x128xf32, #tpu.memory_space<hbm>>, %arg3: memref<512x128xf32, #tpu.memory_space<hbm>>, %arg4: memref<9728x128xf32, #tpu.memory_space<hbm>>, %arg5: memref<9728x128xf32, #tpu.memory_space<hbm>>, %arg6: memref<512xi32, #tpu.memory_space<hbm>>, %arg7: memref<512x256xf32, #tpu.memory_space<hbm>>, %arg8: memref<16xi32, #tpu.memory_space<vmem>>, %arg9: memref<16x128xf32, #tpu.memory_space<vmem>>, %arg10: memref<16x128xf32, #tpu.memory_space<vmem>>, %arg11: memref<16x256xf32, #tpu.memory_space<vmem>>) attributes {dimension_semantics = [#tpu.dimension_semantics<core_parallel>, #tpu.dimension_semantics<subcore_parallel>], iteration_bounds = array<i64: 2, 16>, scalar_prefetch = 0 : i64, scratch_operands = 4 : i64, tpu.core_type = #tpu.core_type<sc_vector_subcore>, window_params = [{transform_indices = #map}, {transform_indices = #map}, {transform_indices = #map}, {transform_indices = #map}, {transform_indices = #map1}, {transform_indices = #map}]} {
    %mul3A = arith.constant 2 : i32
    %mul3A_0 = arith.muli %arg1, %mul3A : i32
    %add3A = arith.addi %mul3A_0, %arg0 : i32
    %mul3A_1 = arith.constant 16 : i32
    %mul3A_2 = arith.muli %add3A, %mul3A_1 : i32
    "tpu.region"() ({
      %run_scoped3A = tpu.sem_alloc : memref<!tpu.dma_semaphore, #tpu.memory_space<semaphore_mem>>
      %dma_start3A = tpu.memref_slice %arg6[%mul3A_2] : memref<512xi32, #tpu.memory_space<hbm>> -> memref<16xi32, #tpu.memory_space<hbm>>
      %dma_start3A_7 = tpu.memref_slice %arg6[%mul3A_2] : memref<512xi32, #tpu.memory_space<hbm>> -> memref<16xi32, #tpu.memory_space<hbm>>
      tpu.enqueue_dma source(%dma_start3A_7 : memref<16xi32, #tpu.memory_space<hbm>>) target(%arg8 : memref<16xi32, #tpu.memory_space<vmem>>) target_semaphore(%run_scoped3A : memref<!tpu.dma_semaphore, #tpu.memory_space<semaphore_mem>>)
      %dma_wait3A = tpu.memref_slice %arg6[%mul3A_2] : memref<512xi32, #tpu.memory_space<hbm>> -> memref<16xi32, #tpu.memory_space<hbm>>
      %dma_wait3A_8 = tpu.memref_slice %arg6[%mul3A_2] : memref<512xi32, #tpu.memory_space<hbm>> -> memref<16xi32, #tpu.memory_space<hbm>>
      tpu.wait_dma2 semaphore(%run_scoped3A : memref<!tpu.dma_semaphore, #tpu.memory_space<semaphore_mem>>) src(%dma_wait3A_8 : memref<16xi32, #tpu.memory_space<hbm>>) dst(%arg8 : memref<16xi32, #tpu.memory_space<vmem>>)
      tpu.yield
    }) : () -> ()
    "tpu.region"() ({
      %run_scoped3A = tpu.sem_alloc : memref<!tpu.dma_semaphore, #tpu.memory_space<semaphore_mem>>
      %dma_start3A = arith.constant 0 : i32
      %dma_start3A_7 = arith.constant 0 : i32
      %dma_start3A_8 = tpu.memref_slice %arg4[%dma_start3A, %dma_start3A_7] : memref<9728x128xf32, #tpu.memory_space<hbm>> -> memref<9728x128xf32, #tpu.memory_space<hbm>>
      tpu.enqueue_indirect_dma source(%dma_start3A_8 : memref<9728x128xf32, #tpu.memory_space<hbm>>) target(%arg9 : memref<16x128xf32, #tpu.memory_space<vmem>>) offsets(%arg8 : memref<16xi32, #tpu.memory_space<vmem>>) semaphore(%run_scoped3A : memref<!tpu.dma_semaphore, #tpu.memory_space<semaphore_mem>>)
      %dma_wait3A = arith.constant 0 : i32
      %dma_wait3A_9 = arith.constant 0 : i32
      %dma_wait3A_10 = tpu.memref_slice %arg4[%dma_wait3A, %dma_wait3A_9] : memref<9728x128xf32, #tpu.memory_space<hbm>> -> memref<9728x128xf32, #tpu.memory_space<hbm>>
      tpu.wait_indirect_dma semaphore(%run_scoped3A : memref<!tpu.dma_semaphore, #tpu.memory_space<semaphore_mem>>) src(%dma_wait3A_10 : memref<9728x128xf32, #tpu.memory_space<hbm>>) dst(%arg9 : memref<16x128xf32, #tpu.memory_space<vmem>>)
      tpu.yield
    }) : () -> ()
    "tpu.region"() ({
      %run_scoped3A = tpu.sem_alloc : memref<!tpu.dma_semaphore, #tpu.memory_space<semaphore_mem>>
      %dma_start3A = arith.constant 0 : i32
      %dma_start3A_7 = arith.constant 0 : i32
      %dma_start3A_8 = tpu.memref_slice %arg5[%dma_start3A, %dma_start3A_7] : memref<9728x128xf32, #tpu.memory_space<hbm>> -> memref<9728x128xf32, #tpu.memory_space<hbm>>
      tpu.enqueue_indirect_dma source(%dma_start3A_8 : memref<9728x128xf32, #tpu.memory_space<hbm>>) target(%arg10 : memref<16x128xf32, #tpu.memory_space<vmem>>) offsets(%arg8 : memref<16xi32, #tpu.memory_space<vmem>>) semaphore(%run_scoped3A : memref<!tpu.dma_semaphore, #tpu.memory_space<semaphore_mem>>)
      %dma_wait3A = arith.constant 0 : i32
      %dma_wait3A_9 = arith.constant 0 : i32
      %dma_wait3A_10 = tpu.memref_slice %arg5[%dma_wait3A, %dma_wait3A_9] : memref<9728x128xf32, #tpu.memory_space<hbm>> -> memref<9728x128xf32, #tpu.memory_space<hbm>>
      tpu.wait_indirect_dma semaphore(%run_scoped3A : memref<!tpu.dma_semaphore, #tpu.memory_space<semaphore_mem>>) src(%dma_wait3A_10 : memref<9728x128xf32, #tpu.memory_space<hbm>>) dst(%arg10 : memref<16x128xf32, #tpu.memory_space<vmem>>)
      tpu.yield
    }) : () -> ()
    "tpu.region"() ({
      %run_scoped3A = tpu.sem_alloc : memref<!tpu.dma_semaphore, #tpu.memory_space<semaphore_mem>>
      %dma_start3A = arith.constant 0 : i32
      %dma_start3A_7 = arith.constant 0 : i32
      %dma_start3A_8 = tpu.memref_slice %arg11[%dma_start3A, %dma_start3A_7] : memref<16x256xf32, #tpu.memory_space<vmem>> -> memref<16x128xf32, #tpu.memory_space<vmem>>
      %dma_start3A_9 = arith.constant 0 : i32
      %dma_start3A_10 = tpu.memref_slice %arg2[%mul3A_2, %dma_start3A_9] : memref<512x128xf32, #tpu.memory_space<hbm>> -> memref<16x128xf32, #tpu.memory_space<hbm>>
      %dma_start3A_11 = arith.constant 0 : i32
      %dma_start3A_12 = arith.constant 0 : i32
      %dma_start3A_13 = tpu.memref_slice %arg11[%dma_start3A_11, %dma_start3A_12] : memref<16x256xf32, #tpu.memory_space<vmem>> -> memref<16x128xf32, #tpu.memory_space<vmem>>
      %dma_start3A_14 = arith.constant 0 : i32
      %dma_start3A_15 = tpu.memref_slice %arg2[%mul3A_2, %dma_start3A_14] : memref<512x128xf32, #tpu.memory_space<hbm>> -> memref<16x128xf32, #tpu.memory_space<hbm>>
      tpu.enqueue_dma source(%dma_start3A_15 : memref<16x128xf32, #tpu.memory_space<hbm>>) target(%dma_start3A_13 : memref<16x128xf32, #tpu.memory_space<vmem>>) target_semaphore(%run_scoped3A : memref<!tpu.dma_semaphore, #tpu.memory_space<semaphore_mem>>)
      %dma_wait3A = arith.constant 0 : i32
      %dma_wait3A_16 = arith.constant 0 : i32
      %dma_wait3A_17 = tpu.memref_slice %arg11[%dma_wait3A, %dma_wait3A_16] : memref<16x256xf32, #tpu.memory_space<vmem>> -> memref<16x128xf32, #tpu.memory_space<vmem>>
      %dma_wait3A_18 = arith.constant 0 : i32
      %dma_wait3A_19 = tpu.memref_slice %arg2[%mul3A_2, %dma_wait3A_18] : memref<512x128xf32, #tpu.memory_space<hbm>> -> memref<16x128xf32, #tpu.memory_space<hbm>>
      %dma_wait3A_20 = arith.constant 0 : i32
      %dma_wait3A_21 = arith.constant 0 : i32
      %dma_wait3A_22 = tpu.memref_slice %arg11[%dma_wait3A_20, %dma_wait3A_21] : memref<16x256xf32, #tpu.memory_space<vmem>> -> memref<16x128xf32, #tpu.memory_space<vmem>>
      %dma_wait3A_23 = arith.constant 0 : i32
      %dma_wait3A_24 = tpu.memref_slice %arg2[%mul3A_2, %dma_wait3A_23] : memref<512x128xf32, #tpu.memory_space<hbm>> -> memref<16x128xf32, #tpu.memory_space<hbm>>
      tpu.wait_dma2 semaphore(%run_scoped3A : memref<!tpu.dma_semaphore, #tpu.memory_space<semaphore_mem>>) src(%dma_wait3A_24 : memref<16x128xf32, #tpu.memory_space<hbm>>) dst(%dma_wait3A_22 : memref<16x128xf32, #tpu.memory_space<vmem>>)
      tpu.yield
    }) : () -> ()
    "tpu.region"() ({
      %run_scoped3A = tpu.sem_alloc : memref<!tpu.dma_semaphore, #tpu.memory_space<semaphore_mem>>
      %dma_start3A = arith.constant 0 : i32
      %dma_start3A_7 = arith.constant 128 : i32
      %dma_start3A_8 = tpu.memref_slice %arg11[%dma_start3A, %dma_start3A_7] : memref<16x256xf32, #tpu.memory_space<vmem>> -> memref<16x128xf32, #tpu.memory_space<vmem>>
      %dma_start3A_9 = arith.constant 0 : i32
      %dma_start3A_10 = tpu.memref_slice %arg3[%mul3A_2, %dma_start3A_9] : memref<512x128xf32, #tpu.memory_space<hbm>> -> memref<16x128xf32, #tpu.memory_space<hbm>>
      %dma_start3A_11 = arith.constant 0 : i32
      %dma_start3A_12 = arith.constant 128 : i32
      %dma_start3A_13 = tpu.memref_slice %arg11[%dma_start3A_11, %dma_start3A_12] : memref<16x256xf32, #tpu.memory_space<vmem>> -> memref<16x128xf32, #tpu.memory_space<vmem>>
      %dma_start3A_14 = arith.constant 0 : i32
      %dma_start3A_15 = tpu.memref_slice %arg3[%mul3A_2, %dma_start3A_14] : memref<512x128xf32, #tpu.memory_space<hbm>> -> memref<16x128xf32, #tpu.memory_space<hbm>>
      tpu.enqueue_dma source(%dma_start3A_15 : memref<16x128xf32, #tpu.memory_space<hbm>>) target(%dma_start3A_13 : memref<16x128xf32, #tpu.memory_space<vmem>>) target_semaphore(%run_scoped3A : memref<!tpu.dma_semaphore, #tpu.memory_space<semaphore_mem>>)
      %dma_wait3A = arith.constant 0 : i32
      %dma_wait3A_16 = arith.constant 128 : i32
      %dma_wait3A_17 = tpu.memref_slice %arg11[%dma_wait3A, %dma_wait3A_16] : memref<16x256xf32, #tpu.memory_space<vmem>> -> memref<16x128xf32, #tpu.memory_space<vmem>>
      %dma_wait3A_18 = arith.constant 0 : i32
      %dma_wait3A_19 = tpu.memref_slice %arg3[%mul3A_2, %dma_wait3A_18] : memref<512x128xf32, #tpu.memory_space<hbm>> -> memref<16x128xf32, #tpu.memory_space<hbm>>
      %dma_wait3A_20 = arith.constant 0 : i32
      %dma_wait3A_21 = arith.constant 128 : i32
      %dma_wait3A_22 = tpu.memref_slice %arg11[%dma_wait3A_20, %dma_wait3A_21] : memref<16x256xf32, #tpu.memory_space<vmem>> -> memref<16x128xf32, #tpu.memory_space<vmem>>
      %dma_wait3A_23 = arith.constant 0 : i32
      %dma_wait3A_24 = tpu.memref_slice %arg3[%mul3A_2, %dma_wait3A_23] : memref<512x128xf32, #tpu.memory_space<hbm>> -> memref<16x128xf32, #tpu.memory_space<hbm>>
      tpu.wait_dma2 semaphore(%run_scoped3A : memref<!tpu.dma_semaphore, #tpu.memory_space<semaphore_mem>>) src(%dma_wait3A_24 : memref<16x128xf32, #tpu.memory_space<hbm>>) dst(%dma_wait3A_22 : memref<16x128xf32, #tpu.memory_space<vmem>>)
      tpu.yield
    }) : () -> ()
    %scan3A = arith.constant 0 : i32
    %scan3A_3 = arith.constant 16 : i32
    %scan3A_4 = arith.addi %scan3A, %scan3A_3 : i32
    %scan3A_5 = arith.constant 1 : i32
    scf.for %scan3A_7 = %scan3A to %scan3A_4 step %scan3A_5  : i32 {
      %mul3A_8 = arith.constant 1 : i32
      %mul3A_9 = arith.muli %scan3A_7, %mul3A_8 : i32
      %add3A_10 = arith.constant 0 : i32
      %add3A_11 = arith.addi %add3A_10, %mul3A_9 : i32
      %scan3A_12 = arith.constant 0 : i32
      %scan3A_13 = arith.constant 8 : i32
      %scan3A_14 = arith.addi %scan3A_12, %scan3A_13 : i32
      %scan3A_15 = arith.constant 1 : i32
      scf.for %scan3A_17 = %scan3A_12 to %scan3A_14 step %scan3A_15  : i32 {
        %mul3A_18 = arith.constant 16 : i32
        %mul3A_19 = arith.muli %scan3A_17, %mul3A_18 : i32
        %add3A_20 = arith.constant 0 : i32
        %add3A_21 = arith.addi %add3A_20, %mul3A_19 : i32
        %add3A_22 = arith.constant 128 : i32
        %add3A_23 = arith.addi %add3A_22, %add3A_21 : i32
        %get3A = arith.index_cast %add3A_11 : i32 to index
        %get3A_24 = arith.index_cast %add3A_21 : i32 to index
        %get3A_25 = tpu.vector_load %arg11[%get3A, %get3A_24] {strides = array<i32>} : memref<16x256xf32, #tpu.memory_space<vmem>>, vector<1x16xf32>,
        %get3A_26 = vector.shape_cast %get3A_25 : vector<1x16xf32> to vector<1x16xf32>
        %get3A_27 = arith.index_cast %add3A_11 : i32 to index
        %get3A_28 = arith.index_cast %add3A_21 : i32 to index
        %get3A_29 = tpu.vector_load %arg9[%get3A_27, %get3A_28] {strides = array<i32>} : memref<16x128xf32, #tpu.memory_space<vmem>>, vector<1x16xf32>,
        %get3A_30 = vector.shape_cast %get3A_29 : vector<1x16xf32> to vector<1x16xf32>
        %add3A_31 = arith.addf %get3A_26, %get3A_30 : vector<1x16xf32>
        %swap3A = arith.index_cast %add3A_11 : i32 to index
        %swap3A_32 = arith.index_cast %add3A_21 : i32 to index
        %swap3A_33 = tpu.vector_load %arg11[%swap3A, %swap3A_32] {strides = array<i32>} : memref<16x256xf32, #tpu.memory_space<vmem>>, vector<1x16xf32>,
        %swap3A_34 = vector.shape_cast %swap3A_33 : vector<1x16xf32> to vector<1x16xf32>
        %swap3A_35 = vector.shape_cast %add3A_31 : vector<1x16xf32> to vector<1x16xf32>
        tpu.vector_store %arg11[%swap3A, %swap3A_32], %swap3A_35 {strides = array<i32>} : memref<16x256xf32, #tpu.memory_space<vmem>>, vector<1x16xf32>,
        %get3A_36 = arith.index_cast %add3A_11 : i32 to index
        %get3A_37 = arith.index_cast %add3A_23 : i32 to index
        %get3A_38 = tpu.vector_load %arg11[%get3A_36, %get3A_37] {strides = array<i32>} : memref<16x256xf32, #tpu.memory_space<vmem>>, vector<1x16xf32>,
        %get3A_39 = vector.shape_cast %get3A_38 : vector<1x16xf32> to vector<1x16xf32>
        %get3A_40 = arith.index_cast %add3A_11 : i32 to index
        %get3A_41 = arith.index_cast %add3A_21 : i32 to index
        %get3A_42 = tpu.vector_load %arg10[%get3A_40, %get3A_41] {strides = array<i32>} : memref<16x128xf32, #tpu.memory_space<vmem>>, vector<1x16xf32>,
        %get3A_43 = vector.shape_cast %get3A_42 : vector<1x16xf32> to vector<1x16xf32>
        %add3A_44 = arith.addf %get3A_39, %get3A_43 : vector<1x16xf32>
        %swap3A_45 = arith.index_cast %add3A_11 : i32 to index
        %swap3A_46 = arith.index_cast %add3A_23 : i32 to index
        %swap3A_47 = tpu.vector_load %arg11[%swap3A_45, %swap3A_46] {strides = array<i32>} : memref<16x256xf32, #tpu.memory_space<vmem>>, vector<1x16xf32>,
        %swap3A_48 = vector.shape_cast %swap3A_47 : vector<1x16xf32> to vector<1x16xf32>
        %swap3A_49 = vector.shape_cast %add3A_44 : vector<1x16xf32> to vector<1x16xf32>
        tpu.vector_store %arg11[%swap3A_45, %swap3A_46], %swap3A_49 {strides = array<i32>} : memref<16x256xf32, #tpu.memory_space<vmem>>, vector<1x16xf32>,
      }
      %scan3A_16 = arith.constant 8 : i32
    }
    %scan3A_6 = arith.constant 16 : i32
    "tpu.region"() ({
      %run_scoped3A = tpu.sem_alloc : memref<!tpu.dma_semaphore, #tpu.memory_space<semaphore_mem>>
      %dma_start3A = arith.constant 0 : i32
      %dma_start3A_7 = tpu.memref_slice %arg7[%mul3A_2, %dma_start3A] : memref<512x256xf32, #tpu.memory_space<hbm>> -> memref<16x256xf32, #tpu.memory_space<hbm>>
      %dma_start3A_8 = arith.constant 0 : i32
      %dma_start3A_9 = tpu.memref_slice %arg7[%mul3A_2, %dma_start3A_8] : memref<512x256xf32, #tpu.memory_space<hbm>> -> memref<16x256xf32, #tpu.memory_space<hbm>>
      tpu.enqueue_dma source(%arg11 : memref<16x256xf32, #tpu.memory_space<vmem>>) target(%dma_start3A_9 : memref<16x256xf32, #tpu.memory_space<hbm>>) target_semaphore(%run_scoped3A : memref<!tpu.dma_semaphore, #tpu.memory_space<semaphore_mem>>)
      %dma_wait3A = arith.constant 0 : i32
      %dma_wait3A_10 = tpu.memref_slice %arg7[%mul3A_2, %dma_wait3A] : memref<512x256xf32, #tpu.memory_space<hbm>> -> memref<16x256xf32, #tpu.memory_space<hbm>>
      %dma_wait3A_11 = arith.constant 0 : i32
      %dma_wait3A_12 = tpu.memref_slice %arg7[%mul3A_2, %dma_wait3A_11] : memref<512x256xf32, #tpu.memory_space<hbm>> -> memref<16x256xf32, #tpu.memory_space<hbm>>
      tpu.wait_dma2 semaphore(%run_scoped3A : memref<!tpu.dma_semaphore, #tpu.memory_space<semaphore_mem>>) src(%arg11 : memref<16x256xf32, #tpu.memory_space<vmem>>) dst(%dma_wait3A_12 : memref<16x256xf32, #tpu.memory_space<hbm>>)
      tpu.yield
    }) : () -> ()
    return
  }
}

module attributes {stable_mosaic.version = 14 : i64} {
  func.func @_tc_body(%arg0: i32, %arg1: memref<128x16x128xf32, #tpu.memory_space<vmem>>, %arg2: memref<128x128xf32, #tpu.memory_space<vmem>>, %arg3: memref<128x128xf32, #tpu.memory_space<vmem>>, %arg4: memref<2432x128xf32, #tpu.memory_space<vmem>>, %arg5: memref<2432x128xf32, #tpu.memory_space<vmem>>, %arg6: memref<128x16xf32, #tpu.memory_space<vmem>>, %arg7: memref<128x1xi32, #tpu.memory_space<vmem>>, %arg8: memref<128x128xf32, #tpu.memory_space<vmem>>, %arg9: memref<1x128xf32, #tpu.memory_space<vmem>>, %arg10: memref<128x256xf32, #tpu.memory_space<vmem>>, %arg11: memref<1x256xf32, #tpu.memory_space<vmem>>, %arg12: memref<256x128xf32, #tpu.memory_space<vmem>>, %arg13: memref<1x128xf32, #tpu.memory_space<vmem>>, %arg14: memref<128x1xf32, #tpu.memory_space<vmem>>, %arg15: memref<1xf32, #tpu.memory_space<smem>>, %arg16: memref<128x256xf32, #tpu.memory_space<vmem>>, %arg17: memref<2432x1xf32, #tpu.memory_space<vmem>>) attributes {dimension_semantics = [#tpu.dimension_semantics<parallel>], iteration_bounds = array<i64: 4>, scalar_prefetch = 0 : i64, scratch_operands = 0 : i64, tpu.core_type = #tpu.core_type<tc>, window_params = [{transform_indices = @transform_0, window_bounds = array<i64: 128, 16, 128>}, {transform_indices = @transform_1, window_bounds = array<i64: 128, 128>}, {transform_indices = @transform_2, window_bounds = array<i64: 128, 128>}, {transform_indices = @transform_3, window_bounds = array<i64: 2432, 128>}, {transform_indices = @transform_4, window_bounds = array<i64: 2432, 128>}, {transform_indices = @transform_5, window_bounds = array<i64: 128, 16>}, {transform_indices = @transform_6, window_bounds = array<i64: 128, 1>}, {pipeline_mode = #tpu.pipeline_mode<synchronous>, transform_indices = @transform_7, window_bounds = array<i64: 128, 128>}, {pipeline_mode = #tpu.pipeline_mode<synchronous>, transform_indices = @transform_8, window_bounds = array<i64: 1, 128>}, {pipeline_mode = #tpu.pipeline_mode<synchronous>, transform_indices = @transform_9, window_bounds = array<i64: 128, 256>}, {pipeline_mode = #tpu.pipeline_mode<synchronous>, transform_indices = @transform_10, window_bounds = array<i64: 1, 256>}, {pipeline_mode = #tpu.pipeline_mode<synchronous>, transform_indices = @transform_11, window_bounds = array<i64: 256, 128>}, {pipeline_mode = #tpu.pipeline_mode<synchronous>, transform_indices = @transform_12, window_bounds = array<i64: 1, 128>}, {pipeline_mode = #tpu.pipeline_mode<synchronous>, transform_indices = @transform_13, window_bounds = array<i64: 128, 1>}, {transform_indices = @transform_14, window_bounds = array<i64: 1>}, {transform_indices = @transform_15, window_bounds = array<i64: 128, 256>}, {transform_indices = @transform_16, window_bounds = array<i64: 2432, 1>}]} {
    %get3A = arith.constant 0 : index
    %get3A_0 = arith.constant 0 : index
    %get3A_1 = arith.constant 0 : index
    %get3A_2 = vector.load %arg1[%get3A, %get3A_0, %get3A_1] : memref<128x16x128xf32, #tpu.memory_space<vmem>>, vector<128x16x128xf32>
    %get3A_3 = arith.constant 0 : index
    %get3A_4 = arith.constant 0 : index
    %get3A_5 = vector.load %arg6[%get3A_3, %get3A_4] : memref<128x16xf32, #tpu.memory_space<vmem>>, vector<128x16xf32>
    %get3A_6 = arith.constant 0 : index
    %get3A_7 = arith.constant 0 : index
    %get3A_8 = vector.load %arg2[%get3A_6, %get3A_7] : memref<128x128xf32, #tpu.memory_space<vmem>>, vector<128x128xf32>
    %get3A_9 = arith.constant 0 : index
    %get3A_10 = arith.constant 0 : index
    %get3A_11 = vector.load %arg3[%get3A_9, %get3A_10] : memref<128x128xf32, #tpu.memory_space<vmem>>, vector<128x128xf32>
    %get3A_12 = arith.constant 0 : index
    %get3A_13 = arith.constant 0 : index
    %get3A_14 = vector.load %arg8[%get3A_12, %get3A_13] : memref<128x128xf32, #tpu.memory_space<vmem>>, vector<128x128xf32>
    %get3A_15 = arith.constant 0 : index
    %get3A_16 = arith.constant 0 : index
    %get3A_17 = vector.load %arg9[%get3A_15, %get3A_16] : memref<1x128xf32, #tpu.memory_space<vmem>>, vector<1x128xf32>
    %get3A_18 = arith.constant 0 : index
    %get3A_19 = arith.constant 0 : index
    %get3A_20 = vector.load %arg10[%get3A_18, %get3A_19] : memref<128x256xf32, #tpu.memory_space<vmem>>, vector<128x256xf32>
    %get3A_21 = arith.constant 0 : index
    %get3A_22 = arith.constant 0 : index
    %get3A_23 = vector.load %arg11[%get3A_21, %get3A_22] : memref<1x256xf32, #tpu.memory_space<vmem>>, vector<1x256xf32>
    %reshape3A = vector.shape_cast %get3A_2 : vector<128x16x128xf32> to vector<2048x128xf32>
    %convert_element_type3A = arith.truncf %reshape3A : vector<2048x128xf32> to vector<2048x128xbf16>
    %convert_element_type3A_24 = arith.truncf %get3A_14 : vector<128x128xf32> to vector<128x128xbf16>
    %dot_general3A = arith.constant dense<0.000000e+00> : vector<2048x128xf32>
    %dot_general3A_25 = tpu.matmul %convert_element_type3A, %convert_element_type3A_24, %dot_general3A {dimension_numbers = #tpu.dot_dimension_numbers<[1], [0], [0], [1], [0, 0, 1, 1], [], []>, transpose_lhs_hint = false} : vector<2048x128xbf16>, vector<128x128xbf16>, vector<2048x128xf32> -> vector<2048x128xf32>
    %add3A = vector.broadcast %get3A_17 : vector<1x128xf32> to vector<2048x128xf32>
    %add3A_26 = arith.addf %dot_general3A_25, %add3A : vector<2048x128xf32>
    %max3A = arith.constant 0.000000e+00 : f32
    %max3A_27 = vector.broadcast %max3A : f32 to vector<2048x128xf32>
    %max3A_28 = arith.maximumf %add3A_26, %max3A_27 : vector<2048x128xf32>
    %convert_element_type3A_29 = arith.truncf %max3A_28 : vector<2048x128xf32> to vector<2048x128xbf16>
    %convert_element_type3A_30 = arith.truncf %get3A_20 : vector<128x256xf32> to vector<128x256xbf16>
    %dot_general3A_31 = arith.constant dense<0.000000e+00> : vector<2048x256xf32>
    %dot_general3A_32 = tpu.matmul %convert_element_type3A_29, %convert_element_type3A_30, %dot_general3A_31 {dimension_numbers = #tpu.dot_dimension_numbers<[1], [0], [0], [1], [0, 0, 1, 1], [], []>, transpose_lhs_hint = false} : vector<2048x128xbf16>, vector<128x256xbf16>, vector<2048x256xf32> -> vector<2048x256xf32>
    %add3A_33 = vector.broadcast %get3A_23 : vector<1x256xf32> to vector<2048x256xf32>
    %add3A_34 = arith.addf %dot_general3A_32, %add3A_33 : vector<2048x256xf32>
    %reshape3A_35 = vector.shape_cast %add3A_34 : vector<2048x256xf32> to vector<128x16x256xf32>
    %broadcast_in_dim3A = vector.shape_cast %get3A_5 : vector<128x16xf32> to vector<128x16x1xf32>
    %mul3A = vector.broadcast %broadcast_in_dim3A : vector<128x16x1xf32> to vector<128x16x256xf32>
    %mul3A_36 = arith.mulf %reshape3A_35, %mul3A : vector<128x16x256xf32>
    %iota3A = tpu.iota {dimensions = array<i32: 1>} : vector<128x16x1xi32>
    %eq3A = arith.constant 3 : i32
    %eq3A_37 = vector.broadcast %eq3A : i32 to vector<128x16x1xi32>
    %eq3A_38 = arith.cmpi eq, %iota3A, %eq3A_37 : vector<128x16x1xi32>
    %eq3A_39 = arith.constant 15 : i32
    %eq3A_40 = vector.broadcast %eq3A_39 : i32 to vector<128x16x1xi32>
    %eq3A_41 = arith.cmpi eq, %iota3A, %eq3A_40 : vector<128x16x1xi32>
    %or3A = arith.ori %eq3A_38, %eq3A_41 : vector<128x16x1xi1>
    %slice3A = vector.extract_strided_slice %mul3A_36 {offsets = [0, 0, 0], sizes = [128, 16, 128], strides = [1, 1, 1]} : vector<128x16x256xf32> to vector<128x16x128xf32>
    %jit3A = arith.constant 0.000000e+00 : f32
    %broadcast_in_dim3A_42 = vector.shape_cast %or3A : vector<128x16x1xi1> to vector<128x16x1xi1>
    %broadcast_in_dim3A_43 = vector.broadcast %broadcast_in_dim3A_42 : vector<128x16x1xi1> to vector<128x16x128xi1>
    %broadcast_in_dim3A_44 = vector.broadcast %jit3A : f32 to vector<128x16x128xf32>
    %select_n3A = arith.select %broadcast_in_dim3A_43, %broadcast_in_dim3A_44, %slice3A : vector<128x16x128xi1>, vector<128x16x128xf32>
    %reduce_sum3A = arith.constant dense<0.000000e+00> : vector<128x128xf32>
    %reduce_sum3A_45 = vector.multi_reduction <add>, %select_n3A, %reduce_sum3A [1] : vector<128x16x128xf32> to vector<128x128xf32>
    %slice3A_46 = vector.extract_strided_slice %mul3A_36 {offsets = [0, 0, 128], sizes = [128, 16, 128], strides = [1, 1, 1]} : vector<128x16x256xf32> to vector<128x16x128xf32>
    %jit3A_47 = arith.constant 0xFF800000 : f32
    %broadcast_in_dim3A_48 = vector.shape_cast %or3A : vector<128x16x1xi1> to vector<128x16x1xi1>
    %broadcast_in_dim3A_49 = vector.broadcast %broadcast_in_dim3A_48 : vector<128x16x1xi1> to vector<128x16x128xi1>
    %broadcast_in_dim3A_50 = vector.broadcast %jit3A_47 : f32 to vector<128x16x128xf32>
    %select_n3A_51 = arith.select %broadcast_in_dim3A_49, %broadcast_in_dim3A_50, %slice3A_46 : vector<128x16x128xi1>, vector<128x16x128xf32>
    %reduce_max3A = arith.constant dense<0xFF800000> : vector<128x128xf32>
    %reduce_max3A_52 = vector.multi_reduction <maximumf>, %select_n3A_51, %reduce_max3A [1] : vector<128x16x128xf32> to vector<128x128xf32>
    %iota3A_53 = tpu.iota {dimensions = array<i32: 0>} : vector<2432x128xi32>
    %iota3A_54 = tpu.iota {dimensions = array<i32: 1>} : vector<2432x128xi32>
    %jit3A_55 = arith.constant 19 : i32
    %div3A = vector.broadcast %jit3A_55 : i32 to vector<2432x128xi32>
    %div3A_56 = arith.divsi %iota3A_53, %div3A : vector<2432x128xi32>
    %sign3A = arith.constant 0 : i32
    %sign3A_57 = vector.broadcast %sign3A : i32 to vector<2432x128xi32>
    %sign3A_58 = arith.cmpi sgt, %iota3A_53, %sign3A_57 : vector<2432x128xi32>
    %sign3A_59 = arith.extui %sign3A_58 : vector<2432x128xi1> to vector<2432x128xi32>
    %sign3A_60 = arith.constant 0 : i32
    %sign3A_61 = vector.broadcast %sign3A_60 : i32 to vector<2432x128xi32>
    %sign3A_62 = arith.cmpi slt, %iota3A_53, %sign3A_61 : vector<2432x128xi32>
    %sign3A_63 = arith.extui %sign3A_62 : vector<2432x128xi1> to vector<2432x128xi32>
    %sign3A_64 = arith.subi %sign3A_59, %sign3A_63 : vector<2432x128xi32>
    %sign3A_65 = arith.constant 0 : i32
    %sign3A_66 = arith.cmpi sgt, %jit3A_55, %sign3A_65 : i32
    %sign3A_67 = arith.extui %sign3A_66 : i1 to i32
    %sign3A_68 = arith.constant 0 : i32
    %sign3A_69 = arith.cmpi slt, %jit3A_55, %sign3A_68 : i32
    %sign3A_70 = arith.extui %sign3A_69 : i1 to i32
    %sign3A_71 = arith.subi %sign3A_67, %sign3A_70 : i32
    %ne3A = vector.broadcast %sign3A_71 : i32 to vector<2432x128xi32>
    %ne3A_72 = arith.cmpi ne, %sign3A_64, %ne3A : vector<2432x128xi32>
    %rem3A = vector.broadcast %jit3A_55 : i32 to vector<2432x128xi32>
    %rem3A_73 = arith.remsi %iota3A_53, %rem3A : vector<2432x128xi32>
    %ne3A_74 = arith.constant 0 : i32
    %ne3A_75 = vector.broadcast %ne3A_74 : i32 to vector<2432x128xi32>
    %ne3A_76 = arith.cmpi ne, %rem3A_73, %ne3A_75 : vector<2432x128xi32>
    %and3A = arith.andi %ne3A_72, %ne3A_76 : vector<2432x128xi1>
    %sub3A = arith.constant 1 : i32
    %sub3A_77 = vector.broadcast %sub3A : i32 to vector<2432x128xi32>
    %sub3A_78 = arith.subi %div3A_56, %sub3A_77 : vector<2432x128xi32>
    %select_n3A_79 = arith.select %and3A, %sub3A_78, %div3A_56 : vector<2432x128xi1>, vector<2432x128xi32>
    %eq3A_80 = arith.cmpi eq, %select_n3A_79, %iota3A_54 : vector<2432x128xi32>
    %convert_element_type3A_81 = arith.extui %eq3A_80 : vector<2432x128xi1> to vector<2432x128xi32>
    %convert_element_type3A_82 = arith.sitofp %convert_element_type3A_81 : vector<2432x128xi32> to vector<2432x128xf32>
    %convert_element_type3A_83 = arith.truncf %convert_element_type3A_82 : vector<2432x128xf32> to vector<2432x128xbf16>
    %slice3A_84 = vector.extract_strided_slice %get3A_5 {offsets = [0, 3], sizes = [128, 1], strides = [1, 1]} : vector<128x16xf32> to vector<128x1xf32>
    %slice3A_85 = vector.extract_strided_slice %get3A_5 {offsets = [0, 15], sizes = [128, 1], strides = [1, 1]} : vector<128x16xf32> to vector<128x1xf32>
    %concatenate3A = tpu.concatenate %get3A_8, %get3A_11, %reduce_sum3A_45, %reduce_max3A_52, %slice3A_84, %slice3A_85 in 1 : vector<128x128xf32>, vector<128x128xf32>, vector<128x128xf32>, vector<128x128xf32>, vector<128x1xf32>, vector<128x1xf32> -> vector<128x514xf32>
    %convert_element_type3A_86 = arith.truncf %concatenate3A : vector<128x514xf32> to vector<128x514xbf16>
    %dot_general3A_87 = arith.constant dense<0.000000e+00> : vector<2432x514xf32>
    %dot_general3A_88 = tpu.matmul %convert_element_type3A_83, %convert_element_type3A_86, %dot_general3A_87 {dimension_numbers = #tpu.dot_dimension_numbers<[1], [0], [0], [1], [0, 0, 1, 1], [], []>, transpose_lhs_hint = false} : vector<2432x128xbf16>, vector<128x514xbf16>, vector<2432x514xf32> -> vector<2432x514xf32>
    %slice3A_89 = vector.extract_strided_slice %dot_general3A_88 {offsets = [0, 0], sizes = [2432, 128], strides = [1, 1]} : vector<2432x514xf32> to vector<2432x128xf32>
    %slice3A_90 = vector.extract_strided_slice %dot_general3A_88 {offsets = [0, 128], sizes = [2432, 128], strides = [1, 1]} : vector<2432x514xf32> to vector<2432x128xf32>
    %slice3A_91 = vector.extract_strided_slice %dot_general3A_88 {offsets = [0, 256], sizes = [2432, 128], strides = [1, 1]} : vector<2432x514xf32> to vector<2432x128xf32>
    %slice3A_92 = vector.extract_strided_slice %dot_general3A_88 {offsets = [0, 384], sizes = [2432, 128], strides = [1, 1]} : vector<2432x514xf32> to vector<2432x128xf32>
    %slice3A_93 = vector.extract_strided_slice %dot_general3A_88 {offsets = [0, 512], sizes = [2432, 1], strides = [1, 1]} : vector<2432x514xf32> to vector<2432x1xf32>
    %slice3A_94 = vector.extract_strided_slice %dot_general3A_88 {offsets = [0, 513], sizes = [2432, 1], strides = [1, 1]} : vector<2432x514xf32> to vector<2432x1xf32>
    %get3A_95 = arith.constant 0 : index
    %get3A_96 = arith.constant 0 : index
    %get3A_97 = vector.load %arg4[%get3A_95, %get3A_96] : memref<2432x128xf32, #tpu.memory_space<vmem>>, vector<2432x128xf32>
    %get3A_98 = arith.constant 0 : index
    %get3A_99 = arith.constant 0 : index
    %get3A_100 = vector.load %arg5[%get3A_98, %get3A_99] : memref<2432x128xf32, #tpu.memory_space<vmem>>, vector<2432x128xf32>
    %add3A_101 = arith.addf %slice3A_89, %get3A_97 : vector<2432x128xf32>
    %add3A_102 = arith.addf %slice3A_90, %get3A_100 : vector<2432x128xf32>
    %concatenate3A_103 = tpu.concatenate %add3A_101, %add3A_102 in 0 : vector<2432x128xf32>, vector<2432x128xf32> -> vector<4864x128xf32>
    %convert_element_type3A_104 = arith.truncf %concatenate3A_103 : vector<4864x128xf32> to vector<4864x128xbf16>
    %convert_element_type3A_105 = arith.truncf %get3A_14 : vector<128x128xf32> to vector<128x128xbf16>
    %dot_general3A_106 = arith.constant dense<0.000000e+00> : vector<4864x128xf32>
    %dot_general3A_107 = tpu.matmul %convert_element_type3A_104, %convert_element_type3A_105, %dot_general3A_106 {dimension_numbers = #tpu.dot_dimension_numbers<[1], [0], [0], [1], [0, 0, 1, 1], [], []>, transpose_lhs_hint = false} : vector<4864x128xbf16>, vector<128x128xbf16>, vector<4864x128xf32> -> vector<4864x128xf32>
    %add3A_108 = vector.broadcast %get3A_17 : vector<1x128xf32> to vector<4864x128xf32>
    %add3A_109 = arith.addf %dot_general3A_107, %add3A_108 : vector<4864x128xf32>
    %max3A_110 = arith.constant 0.000000e+00 : f32
    %max3A_111 = vector.broadcast %max3A_110 : f32 to vector<4864x128xf32>
    %max3A_112 = arith.maximumf %add3A_109, %max3A_111 : vector<4864x128xf32>
    %convert_element_type3A_113 = arith.truncf %max3A_112 : vector<4864x128xf32> to vector<4864x128xbf16>
    %convert_element_type3A_114 = arith.truncf %get3A_20 : vector<128x256xf32> to vector<128x256xbf16>
    %dot_general3A_115 = arith.constant dense<0.000000e+00> : vector<4864x256xf32>
    %dot_general3A_116 = tpu.matmul %convert_element_type3A_113, %convert_element_type3A_114, %dot_general3A_115 {dimension_numbers = #tpu.dot_dimension_numbers<[1], [0], [0], [1], [0, 0, 1, 1], [], []>, transpose_lhs_hint = false} : vector<4864x128xbf16>, vector<128x256xbf16>, vector<4864x256xf32> -> vector<4864x256xf32>
    %add3A_117 = vector.broadcast %get3A_23 : vector<1x256xf32> to vector<4864x256xf32>
    %add3A_118 = arith.addf %dot_general3A_116, %add3A_117 : vector<4864x256xf32>
    %slice3A_119 = vector.extract_strided_slice %add3A_118 {offsets = [0, 0], sizes = [2432, 256], strides = [1, 1]} : vector<4864x256xf32> to vector<2432x256xf32>
    %mul3A_120 = vector.broadcast %slice3A_93 : vector<2432x1xf32> to vector<2432x256xf32>
    %mul3A_121 = arith.mulf %slice3A_119, %mul3A_120 : vector<2432x256xf32>
    %slice3A_122 = vector.extract_strided_slice %add3A_118 {offsets = [2432, 0], sizes = [2432, 256], strides = [1, 1]} : vector<4864x256xf32> to vector<2432x256xf32>
    %mul3A_123 = vector.broadcast %slice3A_94 : vector<2432x1xf32> to vector<2432x256xf32>
    %mul3A_124 = arith.mulf %slice3A_122, %mul3A_123 : vector<2432x256xf32>
    %slice3A_125 = vector.extract_strided_slice %mul3A_121 {offsets = [0, 0], sizes = [2432, 128], strides = [1, 1]} : vector<2432x256xf32> to vector<2432x128xf32>
    %add3A_126 = arith.addf %slice3A_91, %slice3A_125 : vector<2432x128xf32>
    %slice3A_127 = vector.extract_strided_slice %mul3A_124 {offsets = [0, 0], sizes = [2432, 128], strides = [1, 1]} : vector<2432x256xf32> to vector<2432x128xf32>
    %add3A_128 = arith.addf %add3A_126, %slice3A_127 : vector<2432x128xf32>
    %mul3A_129 = arith.constant 6.250000e-02 : f32
    %mul3A_130 = vector.broadcast %mul3A_129 : f32 to vector<2432x128xf32>
    %mul3A_131 = arith.mulf %add3A_128, %mul3A_130 : vector<2432x128xf32>
    %slice3A_132 = vector.extract_strided_slice %mul3A_121 {offsets = [0, 128], sizes = [2432, 128], strides = [1, 1]} : vector<2432x256xf32> to vector<2432x128xf32>
    %slice3A_133 = vector.extract_strided_slice %mul3A_124 {offsets = [0, 128], sizes = [2432, 128], strides = [1, 1]} : vector<2432x256xf32> to vector<2432x128xf32>
    %max3A_134 = arith.maximumf %slice3A_132, %slice3A_133 : vector<2432x128xf32>
    %max3A_135 = arith.maximumf %slice3A_92, %max3A_134 : vector<2432x128xf32>
    %concatenate3A_136 = tpu.concatenate %mul3A_131, %max3A_135 in 1 : vector<2432x128xf32>, vector<2432x128xf32> -> vector<2432x256xf32>
    %get3A_137 = arith.constant 0 : index
    %get3A_138 = arith.constant 0 : index
    %get3A_139 = vector.load %arg12[%get3A_137, %get3A_138] : memref<256x128xf32, #tpu.memory_space<vmem>>, vector<256x128xf32>
    %convert_element_type3A_140 = arith.truncf %concatenate3A_136 : vector<2432x256xf32> to vector<2432x256xbf16>
    %convert_element_type3A_141 = arith.truncf %get3A_139 : vector<256x128xf32> to vector<256x128xbf16>
    %dot_general3A_142 = arith.constant dense<0.000000e+00> : vector<2432x128xf32>
    %dot_general3A_143 = tpu.matmul %convert_element_type3A_140, %convert_element_type3A_141, %dot_general3A_142 {dimension_numbers = #tpu.dot_dimension_numbers<[1], [0], [0], [1], [0, 0, 1, 1], [], []>, transpose_lhs_hint = false} : vector<2432x256xbf16>, vector<256x128xbf16>, vector<2432x128xf32> -> vector<2432x128xf32>
    %get3A_144 = arith.constant 0 : index
    %get3A_145 = arith.constant 0 : index
    %get3A_146 = vector.load %arg13[%get3A_144, %get3A_145] : memref<1x128xf32, #tpu.memory_space<vmem>>, vector<1x128xf32>
    %add3A_147 = vector.broadcast %get3A_146 : vector<1x128xf32> to vector<2432x128xf32>
    %add3A_148 = arith.addf %dot_general3A_143, %add3A_147 : vector<2432x128xf32>
    %max3A_149 = arith.constant 0.000000e+00 : f32
    %max3A_150 = vector.broadcast %max3A_149 : f32 to vector<2432x128xf32>
    %max3A_151 = arith.maximumf %add3A_148, %max3A_150 : vector<2432x128xf32>
    %get3A_152 = arith.constant 0 : index
    %get3A_153 = arith.constant 0 : index
    %get3A_154 = vector.load %arg14[%get3A_152, %get3A_153] : memref<128x1xf32, #tpu.memory_space<vmem>>, vector<128x1xf32>
    %convert_element_type3A_155 = arith.truncf %max3A_151 : vector<2432x128xf32> to vector<2432x128xbf16>
    %convert_element_type3A_156 = arith.truncf %get3A_154 : vector<128x1xf32> to vector<128x1xbf16>
    %dot_general3A_157 = arith.constant dense<0.000000e+00> : vector<2432x1xf32>
    %dot_general3A_158 = tpu.matmul %convert_element_type3A_155, %convert_element_type3A_156, %dot_general3A_157 {dimension_numbers = #tpu.dot_dimension_numbers<[1], [0], [0], [1], [0, 0, 1, 1], [], []>, transpose_lhs_hint = false} : vector<2432x128xbf16>, vector<128x1xbf16>, vector<2432x1xf32> -> vector<2432x1xf32>
    %get3A_159 = arith.constant 0 : index
    %get3A_160 = memref.load %arg15[%get3A_159] : memref<1xf32, #tpu.memory_space<smem>>
    %add3A_161 = vector.broadcast %get3A_160 : f32 to vector<2432x1xf32>
    %add3A_162 = arith.addf %dot_general3A_158, %add3A_161 : vector<2432x1xf32>
    %swap3A = arith.constant 0 : index
    %swap3A_163 = arith.constant 0 : index
    %swap3A_164 = vector.load %arg17[%swap3A, %swap3A_163] : memref<2432x1xf32, #tpu.memory_space<vmem>>, vector<2432x1xf32>
    tpu.vector_store %arg17[%swap3A, %swap3A_163], %add3A_162 {strides = array<i32>} : memref<2432x1xf32, #tpu.memory_space<vmem>>, vector<2432x1xf32>,
    %get3A_165 = arith.constant 0 : index
    %get3A_166 = arith.constant 0 : index
    %get3A_167 = vector.load %arg7[%get3A_165, %get3A_166] : memref<128x1xi32, #tpu.memory_space<vmem>>, vector<128x1xi32>
    %iota3A_168 = tpu.iota {dimensions = array<i32: 0>} : vector<128x2432xi32>
    %iota3A_169 = tpu.iota {dimensions = array<i32: 1>} : vector<128x2432xi32>
    %jit3A_170 = arith.constant 19 : i32
    %div3A_171 = vector.broadcast %jit3A_170 : i32 to vector<128x2432xi32>
    %div3A_172 = arith.divsi %iota3A_169, %div3A_171 : vector<128x2432xi32>
    %sign3A_173 = arith.constant 0 : i32
    %sign3A_174 = vector.broadcast %sign3A_173 : i32 to vector<128x2432xi32>
    %sign3A_175 = arith.cmpi sgt, %iota3A_169, %sign3A_174 : vector<128x2432xi32>
    %sign3A_176 = arith.extui %sign3A_175 : vector<128x2432xi1> to vector<128x2432xi32>
    %sign3A_177 = arith.constant 0 : i32
    %sign3A_178 = vector.broadcast %sign3A_177 : i32 to vector<128x2432xi32>
    %sign3A_179 = arith.cmpi slt, %iota3A_169, %sign3A_178 : vector<128x2432xi32>
    %sign3A_180 = arith.extui %sign3A_179 : vector<128x2432xi1> to vector<128x2432xi32>
    %sign3A_181 = arith.subi %sign3A_176, %sign3A_180 : vector<128x2432xi32>
    %sign3A_182 = arith.constant 0 : i32
    %sign3A_183 = arith.cmpi sgt, %jit3A_170, %sign3A_182 : i32
    %sign3A_184 = arith.extui %sign3A_183 : i1 to i32
    %sign3A_185 = arith.constant 0 : i32
    %sign3A_186 = arith.cmpi slt, %jit3A_170, %sign3A_185 : i32
    %sign3A_187 = arith.extui %sign3A_186 : i1 to i32
    %sign3A_188 = arith.subi %sign3A_184, %sign3A_187 : i32
    %ne3A_189 = vector.broadcast %sign3A_188 : i32 to vector<128x2432xi32>
    %ne3A_190 = arith.cmpi ne, %sign3A_181, %ne3A_189 : vector<128x2432xi32>
    %rem3A_191 = vector.broadcast %jit3A_170 : i32 to vector<128x2432xi32>
    %rem3A_192 = arith.remsi %iota3A_169, %rem3A_191 : vector<128x2432xi32>
    %ne3A_193 = arith.constant 0 : i32
    %ne3A_194 = vector.broadcast %ne3A_193 : i32 to vector<128x2432xi32>
    %ne3A_195 = arith.cmpi ne, %rem3A_192, %ne3A_194 : vector<128x2432xi32>
    %and3A_196 = arith.andi %ne3A_190, %ne3A_195 : vector<128x2432xi1>
    %sub3A_197 = arith.constant 1 : i32
    %sub3A_198 = vector.broadcast %sub3A_197 : i32 to vector<128x2432xi32>
    %sub3A_199 = arith.subi %div3A_172, %sub3A_198 : vector<128x2432xi32>
    %select_n3A_200 = arith.select %and3A_196, %sub3A_199, %div3A_172 : vector<128x2432xi1>, vector<128x2432xi32>
    %mul3A_201 = arith.constant 19 : i32
    %mul3A_202 = vector.broadcast %mul3A_201 : i32 to vector<128x2432xi32>
    %mul3A_203 = arith.muli %select_n3A_200, %mul3A_202 : vector<128x2432xi32>
    %sub3A_204 = arith.subi %iota3A_169, %mul3A_203 : vector<128x2432xi32>
    %eq3A_205 = arith.cmpi eq, %select_n3A_200, %iota3A_168 : vector<128x2432xi32>
    %eq3A_206 = vector.broadcast %get3A_167 : vector<128x1xi32> to vector<128x2432xi32>
    %eq3A_207 = arith.cmpi eq, %sub3A_204, %eq3A_206 : vector<128x2432xi32>
    %and3A_208 = arith.andi %eq3A_205, %eq3A_207 : vector<128x2432xi1>
    %convert_element_type3A_209 = arith.extui %and3A_208 : vector<128x2432xi1> to vector<128x2432xi32>
    %convert_element_type3A_210 = arith.sitofp %convert_element_type3A_209 : vector<128x2432xi32> to vector<128x2432xf32>
    %convert_element_type3A_211 = arith.truncf %convert_element_type3A_210 : vector<128x2432xf32> to vector<128x2432xbf16>
    %convert_element_type3A_212 = arith.truncf %concatenate3A_136 : vector<2432x256xf32> to vector<2432x256xbf16>
    %dot_general3A_213 = arith.constant dense<0.000000e+00> : vector<128x256xf32>
    %dot_general3A_214 = tpu.matmul %convert_element_type3A_211, %convert_element_type3A_212, %dot_general3A_213 {dimension_numbers = #tpu.dot_dimension_numbers<[1], [0], [0], [1], [0, 0, 1, 1], [], []>, transpose_lhs_hint = false} : vector<128x2432xbf16>, vector<2432x256xbf16>, vector<128x256xf32> -> vector<128x256xf32>
    %swap3A_215 = arith.constant 0 : index
    %swap3A_216 = arith.constant 0 : index
    %swap3A_217 = vector.load %arg16[%swap3A_215, %swap3A_216] : memref<128x256xf32, #tpu.memory_space<vmem>>, vector<128x256xf32>
    tpu.vector_store %arg16[%swap3A_215, %swap3A_216], %dot_general3A_214 {strides = array<i32>} : memref<128x256xf32, #tpu.memory_space<vmem>>, vector<128x256xf32>,
    return
  }
  func.func @transform_0(%arg0: i32) -> (i32, i32, i32) {
    %c0_i32 = arith.constant 0 : i32
    %c0_i32_0 = arith.constant 0 : i32
    %c0_i32_1 = arith.constant 0 : i32
    return %arg0, %c0_i32, %c0_i32_0 : i32, i32, i32
  }
  func.func @transform_1(%arg0: i32) -> (i32, i32) {
    %c0_i32 = arith.constant 0 : i32
    %c0_i32_0 = arith.constant 0 : i32
    return %arg0, %c0_i32 : i32, i32
  }
  func.func @transform_2(%arg0: i32) -> (i32, i32) {
    %c0_i32 = arith.constant 0 : i32
    %c0_i32_0 = arith.constant 0 : i32
    return %arg0, %c0_i32 : i32, i32
  }
  func.func @transform_3(%arg0: i32) -> (i32, i32) {
    %c0_i32 = arith.constant 0 : i32
    %c0_i32_0 = arith.constant 0 : i32
    return %arg0, %c0_i32 : i32, i32
  }
  func.func @transform_4(%arg0: i32) -> (i32, i32) {
    %c0_i32 = arith.constant 0 : i32
    %c0_i32_0 = arith.constant 0 : i32
    return %arg0, %c0_i32 : i32, i32
  }
  func.func @transform_5(%arg0: i32) -> (i32, i32) {
    %c0_i32 = arith.constant 0 : i32
    %c0_i32_0 = arith.constant 0 : i32
    return %arg0, %c0_i32 : i32, i32
  }
  func.func @transform_6(%arg0: i32) -> (i32, i32) {
    %c0_i32 = arith.constant 0 : i32
    %c0_i32_0 = arith.constant 0 : i32
    return %arg0, %c0_i32 : i32, i32
  }
  func.func @transform_7(%arg0: i32) -> (i32, i32) {
    %c0_i32 = arith.constant 0 : i32
    %c0_i32_0 = arith.constant 0 : i32
    %c0_i32_1 = arith.constant 0 : i32
    return %c0_i32, %c0_i32_0 : i32, i32
  }
  func.func @transform_8(%arg0: i32) -> (i32, i32) {
    %c0_i32 = arith.constant 0 : i32
    %c0_i32_0 = arith.constant 0 : i32
    %c0_i32_1 = arith.constant 0 : i32
    return %c0_i32, %c0_i32_0 : i32, i32
  }
  func.func @transform_9(%arg0: i32) -> (i32, i32) {
    %c0_i32 = arith.constant 0 : i32
    %c0_i32_0 = arith.constant 0 : i32
    %c0_i32_1 = arith.constant 0 : i32
    return %c0_i32, %c0_i32_0 : i32, i32
  }
  func.func @transform_10(%arg0: i32) -> (i32, i32) {
    %c0_i32 = arith.constant 0 : i32
    %c0_i32_0 = arith.constant 0 : i32
    %c0_i32_1 = arith.constant 0 : i32
    return %c0_i32, %c0_i32_0 : i32, i32
  }
  func.func @transform_11(%arg0: i32) -> (i32, i32) {
    %c0_i32 = arith.constant 0 : i32
    %c0_i32_0 = arith.constant 0 : i32
    %c0_i32_1 = arith.constant 0 : i32
    return %c0_i32, %c0_i32_0 : i32, i32
  }
  func.func @transform_12(%arg0: i32) -> (i32, i32) {
    %c0_i32 = arith.constant 0 : i32
    %c0_i32_0 = arith.constant 0 : i32
    %c0_i32_1 = arith.constant 0 : i32
    return %c0_i32, %c0_i32_0 : i32, i32
  }
  func.func @transform_13(%arg0: i32) -> (i32, i32) {
    %c0_i32 = arith.constant 0 : i32
    %c0_i32_0 = arith.constant 0 : i32
    %c0_i32_1 = arith.constant 0 : i32
    return %c0_i32, %c0_i32_0 : i32, i32
  }
  func.func @transform_14(%arg0: i32) -> i32 {
    %c0_i32 = arith.constant 0 : i32
    %c0_i32_0 = arith.constant 0 : i32
    return %c0_i32 : i32
  }
  func.func @transform_15(%arg0: i32) -> (i32, i32) {
    %c0_i32 = arith.constant 0 : i32
    %c0_i32_0 = arith.constant 0 : i32
    return %arg0, %c0_i32 : i32, i32
  }
  func.func @transform_16(%arg0: i32) -> (i32, i32) {
    %c0_i32 = arith.constant 0 : i32
    %c0_i32_0 = arith.constant 0 : i32
    return %arg0, %c0_i32 : i32, i32
  }
}

</mosaic_0001>

<sc_bundles>
// kernel: kernel.4.cloned.1.call-start
scs
__scs_entry_jumppad:
0x0: {  	(pc) =	sbr.rel $0x88, $3  }
0x1: {  	(tag) =	ssettag $0x0;
	lr =	simm.s32 $0x1  }
0x2: {  	[smem:$0x3F94] =	sst lr;
	_ =	strace $0xD0000000  }
0x3: {  	_ = 	snop  }
0x4: {  	_ = 	snop  }
0x5: {  	_ = 	snop  }
0x6: {  	_ = 	snop  }
0x7: {  	_ = 	snop  }
__scs_overlays_trampoline_lowered:
0x8: {  	[smem:$0x3FA3] =	sst s0  }
0x9: {  	[smem:$0x3FA4] =	sst s1  }
0xa: {  	[smem:$0x3FA5] =	sst s2  }
0xb: {  	[smem:$0x3FA6] =	sst s3  }
0xc: {  	[smem:$0x3FA7] =	sst s4  }
0xd: {  	[smem:$0x3FA8] =	sst s5  }
0xe: {  	[smem:$0x3FA9] =	sst s6  }
0xf: {  	[smem:$0x3FAA] =	sst s7  }
0x10: {  	[smem:$0x3FAB] =	sst s8  }
0x11: {  	[smem:$0x3FAC] =	sst s9;
	s0 =	simm.s32 @!p0 $0x0  }
0x12: {  	s1 =	sld [smem:$0x3F92];
	s0 =	simm.s32 @p0 $0x1  }
0x13: {  	[smem:$0x3FAD] =	sst s0;
	s0 =	simm.s32 @!p1 $0x0  }
0x14: {  	s2 =	sld [smem:$0x3F91];
	s0 =	simm.s32 @p1 $0x1  }
0x15: {  	[smem:$0x3FAE] =	sst s0;
	s0 =	simm.s32 @!p2 $0x0  }
0x16: {  	s3 =	sld [smem:$0x3FDB];
	s0 =	simm.s32 @p2 $0x1  }
0x17: {  	s4 =	simm.s32 $0x1BF5;
	[smem:$0x3FB0] =	sst s0  }
0x18: {  	s0 =	sld [smem:$0x3F93];
	_ =	swait.ge [sflag:s4], $0x0  }
0x19: {  	s7 =	sld [smem:$0x3F94]  }
0x1a: {  	s8 =	sadd.s32 $0xFFFFE003, lr  }
0x1b: {  	s9 =	sadd.s32 $0xFFFFFEF7, lr;
	s5 =	simm.s32 $0xFFFFFFFF;
	p2 =	slt.u32 s8, $0xFFFFF086  }
0x1c: {  	p1 =	slt.u32 s9, $0xF7A;
	s5 =	simm.s32 @!p2 $0x0  }
0x1d: {  	s5 =	simm.s32 @p1 $0x1;
	p0 =	seq.s32 s7, s2  }
0x1e: {  	s7 =	smul.u32 @!p0 $0xF7A, s2;
	p2 =	seq.s32 @!p0 s5, $0x0  }
0x1f: {  	s9 =	smul.u32 $0xF7A, s1;
	s8 =	simm.s32 @!p0 $0x1BF5;
	p2 =	por !p2, p0  }
0x20: {  	[sflag:s8] =	ssyncset.s32 @!p0 $0xFFFFF086;
	s6 =	sadd.s32 @!p0 s3, s7;
	s7 =	simm.s32 @!p0 $0x108  }
0x21: {  	s3 =	sadd.s32 s3, s9;
	s6 =	sadd.s32 @!p0 $0x88, s6;
	s7 =	simm.s32 @p2 $0x1082  }
0x22: {  	[simem:s7], [sflag:s8] =	dma.local @!p0 [hbm:s6], $0xF7A  }
0x23: {  	s9 =	sor.u32 $0xD0000000, s2;
	s6 =	simm.s32 $0x108;
	_ =	swait.ge @!p0 [sflag:s8], $0x0  }
0x24: {  	s3 =	sadd.s32 $0x88, s3;
	s6 =	simm.s32 @!p1 $0x1082;
	[sflag:s4] =	ssyncset.s32 $0xFFFFF086  }
0x25: {  	[simem:s6], [sflag:s4] =	dma.local [hbm:s3], $0xF7A  }
0x26: {  	[smem:$0x3F94] =	sst s1;
	(tag) =	ssettag s2;
	_ =	strace s9  }
0x27: {  	s1 =	sld [smem:$0x3FA4]  }
0x28: {  	s2 =	sld [smem:$0x3FA5]  }
0x29: {  	s4 =	sld [smem:$0x3FA7]  }
0x2a: {  	p0 =	seq.s32 s5, $0x0;
	s5 =	sld [smem:$0x3FA8]  }
0x2b: {  	s6 =	sld [smem:$0x3FA9]  }
0x2c: {  	s7 =	sld [smem:$0x3FAA]  }
0x2d: {  	s3 =	simm.s32 $0x108;
	s8 =	sld [smem:$0x3FAB]  }
0x2e: {  	s3 =	simm.s32 @!p0 $0x1082;
	s9 =	sld [smem:$0x3FAC]  }
0x2f: {  	lr =	sadd.s32 s0, s3;
	s0 =	sld [smem:$0x3FA3]  }
0x30: {  	s3 =	sld [smem:$0x3FA6]  }
0x31: {  	[smem:$0x3FAF] =	sst s10  }
0x32: {  	s10 =	sld [smem:$0x3FAD];
	_ =	sdelay $0x3  }
0x33: {  	p0 =	seq.s32 s10, $0x1;
	s10 =	sld [smem:$0x3FAF];
	_ =	sdelay $0x3  }
0x34: {  	[smem:$0x3FAF] =	sst s10  }
0x35: {  	s10 =	sld [smem:$0x3FAE];
	_ =	sdelay $0x3  }
0x36: {  	p1 =	seq.s32 s10, $0x1;
	s10 =	sld [smem:$0x3FAF];
	_ =	sdelay $0x3  }
0x37: {  	[smem:$0x3FAF] =	sst s10  }
0x38: {  	s10 =	sld [smem:$0x3FB0]  }
0x39: {  	_ = 	snop;
	(pc) =	sbr.ind lr, $3  }
0x3a: {  	_ = 	snop  }
0x3b: {  	_ = 	snop  }
0x3c: {  	p2 =	seq.s32 s10, $0x1;
	s10 =	sld [smem:$0x3FAF]  }
0x3d: {  	_ =	shalt  }
0x3e: {  	_ =	shalt  }
0x3f: {  	_ =	shalt  }
0x40: {  	_ =	shalt  }
0x41: {  	_ =	shalt  }
0x42: {  	_ =	shalt  }
0x43: {  	_ =	shalt  }
0x44: {  	_ =	shalt  }
0x45: {  	_ =	shalt  }
0x46: {  	_ =	shalt  }
0x47: {  	_ =	shalt  }
0x48: {  	_ =	shalt  }
0x49: {  	_ =	shalt  }
0x4a: {  	_ =	shalt  }
0x4b: {  	_ =	shalt  }
0x4c: {  	_ =	shalt  }
0x4d: {  	_ =	shalt  }
0x4e: {  	_ =	shalt  }
0x4f: {  	_ =	shalt  }
0x50: {  	_ =	shalt  }
0x51: {  	_ =	shalt  }
0x52: {  	_ =	shalt  }
0x53: {  	_ =	shalt  }
0x54: {  	_ =	shalt  }
0x55: {  	_ =	shalt  }
0x56: {  	_ =	shalt  }
0x57: {  	_ =	shalt  }
0x58: {  	_ =	shalt  }
0x59: {  	_ =	shalt  }
0x5a: {  	_ =	shalt  }
0x5b: {  	_ =	shalt  }
0x5c: {  	_ =	shalt  }
0x5d: {  	_ =	shalt  }
0x5e: {  	_ =	shalt  }
0x5f: {  	_ =	shalt  }
0x60: {  	_ =	shalt  }
0x61: {  	_ =	shalt  }
0x62: {  	_ =	shalt  }
0x63: {  	_ =	shalt  }
0x64: {  	_ =	shalt  }
0x65: {  	_ =	shalt  }
0x66: {  	_ =	shalt  }
0x67: {  	_ =	shalt  }
0x68: {  	_ =	shalt  }
0x69: {  	_ =	shalt  }
0x6a: {  	_ =	shalt  }
0x6b: {  	_ =	shalt  }
0x6c: {  	_ =	shalt  }
0x6d: {  	_ =	shalt  }
0x6e: {  	_ =	shalt  }
0x6f: {  	_ =	shalt  }
0x70: {  	_ =	shalt  }
0x71: {  	_ =	shalt  }
0x72: {  	_ =	shalt  }
0x73: {  	_ =	shalt  }
0x74: {  	_ =	shalt  }
0x75: {  	_ =	shalt  }
0x76: {  	_ =	shalt  }
0x77: {  	_ =	shalt  }
0x78: {  	_ =	shalt  }
0x79: {  	_ =	shalt  }
0x7a: {  	_ =	shalt  }
0x7b: {  	_ =	shalt  }
0x7c: {  	_ =	shalt  }
0x7d: {  	_ =	shalt  }
0x7e: {  	_ =	shalt  }
0x7f: {  	_ =	shalt  }
0x80: {  	_ =	shalt  }
0x81: {  	_ =	shalt  }
0x82: {  	_ =	shalt  }
0x83: {  	_ =	shalt  }
0x84: {  	_ =	shalt  }
0x85: {  	_ =	shalt  }
0x86: {  	_ =	shalt  }
0x87: {  	_ =	shalt  }
.Lfunc_end0:
.L_simem_size_0:
called_computation_lowered:
.L_overlay_start_0:
0x88: {  	s2 =	sld [smem:$0x3FD9]  }
0x89: {  	s3 =	sld [smem:$0x3FFE];
	_ =	sdelay $0x1  }
0x8a: {  	s1 =	srdreg.scid  }
0x8b: {  	s0 =	sand.u32 $0x1, s1  }
0x8c: {  	s14 =	sshll.u32 s0, $0xA;
	s2 =	sadd.s32 s3, s2  }
0x8d: {  	s2 =	sadd.s32 s2, s14  }
0x8e: {  	[smem:$0x3FBB] =	sst s2  }
0x8f: {  	_ = 	snop  }
0x90: {  	s2 =	sld [smem:$0x3FD0];
	_ =	sdelay $0x1  }
0x91: {  	s15 =	sld [smem:$0x3FC8]  }
0x92: {  	s5 =	simm.s32 $0xA;
	s6 =	simm.s32 $0x10;
	s4 =	sld [smem:$0x3FC7]  }
0x93: {  	[smem:s6], [sflag:s5] =	dma.local [hbm:s2], $0x1  }
0x94: {  	_ =	swait.eq [sflag:s5], $0x1  }
0x95: {  	[sflag:s5] =	ssyncset.done $0x0  }
0x96: {  	s16 =	sld [smem:$0x10];
	[sflag:s5] =	ssyncadd.s32 $0xFFFFFFFF  }
0x97: {  	s17 =	sld [smem:$0x13];
	(tm) =	ssettm $0x1  }
0x98: {  	s18 =	sld [smem:$0x3FFB];
	_ =	sdelay $0x3  }
0x99: {  	_ =	strace s18  }
0x9a: {  	s6 =	sld [smem:$0x3FFC];
	_ =	sdelay $0x3  }
0x9b: {  	_ =	strace s6  }
0x9c: {  	s6 =	sld [smem:$0x3FFD];
	_ =	sdelay $0x3  }
0x9d: {  	_ =	strace s6  }
0x9e: {  	_ =	strace $0x8FFFFFFF  }
0x9f: {  	s19 =	sld [smem:$0x3FDB];
	_ =	sdelay $0x1  }
0xa0: {  	s7 =	simm.s32 $_scs_section_size  }
0xa1: {  	s8 =	simm.s32 $_size__tile_overlayer_lowered;
	s9 =	simm.s32 $_tile_overlayer_lowered  }
0xa2: {  	s22 =	simm.s32 $0x1BFF;
	s21 =	sshll.u32 s9, $0x1;
	s6 =	sadd.s32 s7, s19  }
0xa3: {  	s10 =	simm.s32 $0x0;
	s20 =	sshll.u32 s8, $0x1;
	s8 =	sadd.s32 s21, s6  }
0xa4: {  	[timem:s10], [sflag:s22] =	dma.local [hbm:s8], s20  }
0xa5: {  	_ =	swait.ge [sflag:s22], s20  }
0xa6: {  	s7 =	ssub.s32 $0x0, s20;
	[sflag:s22] =	ssyncset.done $0x0  }
0xa7: {  	[sflag:s22] =	ssyncadd.s32 s7;
	_ =	sdelay $0x1  }
0xa8: {  	s23 =	simm.s32 $0x1B8B  }
0xa9: {  	_ =	swait.ge [sflag:s23], $0x1  }
0xaa: {  	[sflag:s23] =	ssyncset.done $0x0  }
0xab: {  	s25 =	simm.s32 $0x1B8E;
	s24 =	sld [smem:$0x3FFE];
	[sflag:s23] =	ssyncadd.s32 $0xFFFFFFFF  }
0xac: {  	s26 =	simm.s32 $execute0_lowered;
	[smem:$0x3FD2] =	sst s25  }
0xad: {  	s8 =	sshll.u32 s26, $0x1;
	_ =	strace $0x80000046;
	[dreg:$0x1] =	wrdreg $0xFFFFFFFF  }
0xae: {  	s28 =	simm.s32 $_size_execute0_lowered;
	s6 =	sadd.s32 s6, s8;
	[dreg:$0x0] =	wrdreg $0x0  }
0xaf: {  	s8 =	sshll.u32 s28, $0x1;
	[dreg:$0x2] =	wrdreg s6  }
0xb0: {  	[dreg:$0x3] =	wrdreg s8  }
0xb1: {  	[dreg:$0x4] =	wrdreg $0xC0  }
0xb2: {  	_ =	task [dreg:s10], $0x5FFFF  }
0xb3: {  	[dreg:$0x1] =	wrdreg $0xFFFFFFFF  }
0xb4: {  	[dreg:$0x0] =	wrdreg $0x60  }
0xb5: {  	[dreg:$0x2] =	wrdreg s24  }
0xb6: {  	[dreg:$0x3] =	wrdreg s15  }
0xb7: {  	[dreg:$0x4] =	wrdreg s4  }
0xb8: {  	[dreg:$0x5] =	wrdreg s17  }
0xb9: {  	[dreg:$0x6] =	wrdreg s16  }
0xba: {  	[dreg:$0x7] =	wrdreg $0x9  }
0xbb: {  	_ =	task.clear_ibuf [dreg:s10], $0x8FFFF;
	_ =	strace $0x90000046  }
0xbc: {  	s29 =	simm.s32 $0x9;
	_ =	strace $0x80000048  }
0xbd: {  	_ =	swait.ge [sflag:s29], $0x1  }
0xbe: {  	[sflag:s29] =	ssyncadd.s32 $0xFFFFFFFF  }
0xbf: {  	_ =	strace $0x90000048  }
0xc0: {  	_ =	sfence  }
0xc1: {  	s30 =	sld [smem:$0x0];
	_ =	sdelay $0x2  }
0xc2: {  	s31 =	sshll.u32 s1, $0xD;
	s1 =	sshrl.u32 s1, $0x2  }
0xc3: {  	s3 =	sand.u32 $0x4000, s31;
	s1 =	sadd.s32 s1, s30  }
0xc4: {  	s0 =	sor.u32 s3, s0;
	s1 =	sshll.u32 s1, $0x11  }
0xc5: {  	s0 =	sor.u32 s1, s0  }
0xc6: {  	s0 =	sadd.s32 $0x8F2B, s0  }
0xc7: {  	[sflag:s0] =	ssyncadd.remote.s32 $0x1  }
0xc8: {  	_ =	sfence.sel $0xFFFF  }
0xc9: {  	[dreg:$0x0] =	wrdreg $0xFFFFFFFF;
	(pc) =	sbr.abs _section_cstart, $3  }
0xca: {  	[dreg:$0x1] =	wrdreg $0xFFFFFFFF  }
0xcb: {  	_ =	task.clear_ibuf [dreg:s10], $0x2FFFF;
	_ =	strace $0x9FFFFFFF  }
0xcc: {  	(tm) =	ssettm $0x7FFFFFFF  }
0xcd: {  	_ =	shalt  }
tec
execute0_lowered:
.L_overlay_start_1:
0x0: {  	(tag) =	ssettag $0x1  }
0x1: {  	s5 =	rddreg [dreg:$0x0]  }
0x2: {  	s1 =	rddreg [dreg:$0x1]  }
0x3: {  	s2 =	rddreg [dreg:$0x2]  }
0x4: {  	s6 =	rddreg [dreg:$0x3]  }
0x5: {  	s8 =	rddreg [dreg:$0x4];
	s4 =	srdreg.scid  }
0x6: {  	s0 =	rddreg [dreg:$0x5];
	s3 =	stileid.u32  }
0x7: {  	s13 =	simm.s32 $0x880;
	s14 =	simm.s32 $0x1080;
	s16 =	simm.s32 $0x1880  }
0x8: {  	s17 =	simm.s32 $0x1480;
	s19 =	simm.s32 $0x1C80;
	s20 =	simm.s32 $0x0  }
0x9: {  	s7 =	sand.u32 $0x1, s4;
	s4 =	simm.s32 $0x0;
	s9 =	sshll.u32 s3, $0x5  }
0xa: {  	s10 =	sshll.u32 s7, $0x4;
	[smem:$0x7FF] =	sst s4;
	s7 =	ssub.s32 $0x2, s7  }
0xb: {  	s9 =	sor.u32 s10, s9;
	_ =	strace $0x80000047;
	s31 =	sshrl.u32 s7, $0x1  }
0xc: {  	s10 =	sshll.u32 s9, $0x4;
	s11 =	sshrl.u32 s9, $0x3;
	s12 =	ssub.s32 s7, s31  }
0xd: {  	s9 =	sshll.u32 s9, $0x5;
	s10 =	sadd.s32 s10, s5;
	s5 =	sadd.s32 s6, s11  }
0xe: {  	s8 =	sadd.s32 s8, s9;
	s9 =	smax.u32 s12, $0x1;
	s11 =	simm.s32 $0x10  }
0xf: {  	s12 =	simm.s32 $0x80;
	s6 =	sadd.s32 $0x4E00, s10;
	s7 =	sadd.s32 $0x2E00, s10  }
0x10: {  	s10 =	simm.s32 $0x1;
	s15 =	sadd.s32 $0x80, s6;
	s18 =	sadd.s32 $0x80, s7  }
.LBB2_1:
0x11: {  	[tilespmem:s4], [sflag:$0x1] =	stream.linear.gather [hbm4b:s5+s4], $0x10, $0x38;
	[tilespmem:$0x2080] =	vst v63  }
0x12: {  	_ =	swait.ge [sflag:s10], $0x10  }
0x13: {  	[sflag:s10] =	ssyncset.done $0x0  }
0x14: {  	[sflag:s10] =	ssyncadd.s32 $0xFFFFFFF0  }
0x15: {  	[tilespmem:s12], [sflag:$0x1] =	stream.indirect.gather [hbm4b:s1+s11], $0x80, s4, s11, $0xb8;
	[tilespmem:$0x2080] =	vst v63  }
0x16: {  	_ =	swait.ge [sflag:s10], $0x800  }
0x17: {  	[sflag:s10] =	ssyncset.done $0x0  }
0x18: {  	[sflag:s10] =	ssyncadd.s32 $0xFFFFF800  }
0x19: {  	[tilespmem:s13], [sflag:$0x1] =	stream.indirect.gather [hbm4b:s2+s11], $0x80, s4, s11, $0xb8;
	[tilespmem:$0x2080] =	vst v63  }
0x1a: {  	_ =	swait.ge [sflag:s10], $0x800  }
0x1b: {  	[sflag:s10] =	ssyncset.done $0x0  }
0x1c: {  	[sflag:s10] =	ssyncadd.s32 $0xFFFFF800  }
0x1d: {  	[tilespmem:s14], [sflag:$0x1] =	stream.linear.gather [hbm4b:s6+s4], $0x400, $0x38;
	[tilespmem:$0x2080] =	vst v63  }
0x1e: {  	_ = 	snop  }
0x1f: {  	[tilespmem:s16], [sflag:$0x1] =	stream.linear.gather [hbm4b:s15+s4], $0x400, $0x38;
	[tilespmem:$0x2080] =	vst v63  }
0x20: {  	_ =	swait.ge [sflag:s10], $0x800  }
0x21: {  	[sflag:s10] =	ssyncset.done $0x0  }
0x22: {  	[sflag:s10] =	ssyncadd.s32 $0xFFFFF800  }
0x23: {  	[tilespmem:s17], [sflag:$0x1] =	stream.linear.gather [hbm4b:s7+s4], $0x400, $0x38;
	[tilespmem:$0x2080] =	vst v63  }
0x24: {  	_ = 	snop  }
0x25: {  	[tilespmem:s19], [sflag:$0x1] =	stream.linear.gather [hbm4b:s18+s4], $0x400, $0x38;
	[tilespmem:$0x2080] =	vst v63  }
0x26: {  	_ =	swait.ge [sflag:s10], $0x800  }
0x27: {  	s21 =	sand.u32 $0x800, s4;
	s22 =	sand.u32 $0x380, s4;
	[sflag:s10] =	ssyncset.done $0x0  }
0x28: {  	s23 =	sor.u32 s22, s21;
	[sflag:s10] =	ssyncadd.s32 $0xFFFFF800  }
0x29: {  	s21 =	simm.s32 $0xC0;
	v0 =	vld [tilespmem:s23+$0x1080]  }
0x2a: {  	v1 =	vld [tilespmem:s21+$0xFFFFFFC0];
	_ =	sdelay $0x4  }
0x2b: {  	v0 =	vadd.f32 v1, v0;
	_ =	sdelay $0x1  }
0x2c: {  	s22 =	simm.s32 $0x8C0;
	[tilespmem:s23+$0x1080] =	vst v0;
	v0 =	vld [tilespmem:s23+$0x1480]  }
0x2d: {  	v1 =	vld [tilespmem:s22+$0xFFFFFFC0];
	_ =	sdelay $0x4  }
0x2e: {  	v0 =	vadd.f32 v1, v0;
	_ =	sdelay $0x1  }
0x2f: {  	[tilespmem:s23+$0x1480] =	vst v0;
	v0 =	vld [tilespmem:s23+$0x1090]  }
0x30: {  	v1 =	vld [tilespmem:s21+$0xFFFFFFD0];
	_ =	sdelay $0x4  }
0x31: {  	v0 =	vadd.f32 v1, v0;
	_ =	sdelay $0x1  }
0x32: {  	[tilespmem:s23+$0x1090] =	vst v0;
	v0 =	vld [tilespmem:s23+$0x1490]  }
0x33: {  	v1 =	vld [tilespmem:s22+$0xFFFFFFD0];
	_ =	sdelay $0x4  }
0x34: {  	v0 =	vadd.f32 v1, v0;
	_ =	sdelay $0x1  }
0x35: {  	[tilespmem:s23+$0x1490] =	vst v0;
	v0 =	vld [tilespmem:s23+$0x10A0]  }
0x36: {  	v1 =	vld [tilespmem:s21+$0xFFFFFFE0];
	_ =	sdelay $0x4  }
0x37: {  	v0 =	vadd.f32 v1, v0;
	_ =	sdelay $0x1  }
0x38: {  	[tilespmem:s23+$0x10A0] =	vst v0;
	v0 =	vld [tilespmem:s23+$0x14A0]  }
0x39: {  	v1 =	vld [tilespmem:s22+$0xFFFFFFE0];
	_ =	sdelay $0x4  }
0x3a: {  	v0 =	vadd.f32 v1, v0;
	_ =	sdelay $0x1  }
0x3b: {  	[tilespmem:s23+$0x14A0] =	vst v0;
	v0 =	vld [tilespmem:s23+$0x10B0]  }
0x3c: {  	v1 =	vld [tilespmem:s21+$0xFFFFFFF0];
	_ =	sdelay $0x4  }
0x3d: {  	v0 =	vadd.f32 v1, v0;
	_ =	sdelay $0x1  }
0x3e: {  	[tilespmem:s23+$0x10B0] =	vst v0;
	v0 =	vld [tilespmem:s23+$0x14B0]  }
0x3f: {  	v1 =	vld [tilespmem:s22+$0xFFFFFFF0];
	_ =	sdelay $0x4  }
0x40: {  	v0 =	vadd.f32 v1, v0;
	_ =	sdelay $0x1  }
0x41: {  	[tilespmem:s23+$0x14B0] =	vst v0;
	v0 =	vld [tilespmem:s23+$0x10C0]  }
0x42: {  	v1 =	vld [tilespmem:s21+$0x0];
	_ =	sdelay $0x4  }
0x43: {  	v0 =	vadd.f32 v1, v0;
	_ =	sdelay $0x1  }
0x44: {  	[tilespmem:s23+$0x10C0] =	vst v0;
	v0 =	vld [tilespmem:s23+$0x14C0]  }
0x45: {  	v1 =	vld [tilespmem:s22+$0x0];
	_ =	sdelay $0x4  }
0x46: {  	v0 =	vadd.f32 v1, v0;
	_ =	sdelay $0x1  }
0x47: {  	[tilespmem:s23+$0x14C0] =	vst v0;
	v0 =	vld [tilespmem:s23+$0x10D0]  }
0x48: {  	v1 =	vld [tilespmem:s21+$0x10];
	_ =	sdelay $0x4  }
0x49: {  	v0 =	vadd.f32 v1, v0;
	_ =	sdelay $0x1  }
0x4a: {  	[tilespmem:s23+$0x10D0] =	vst v0;
	v0 =	vld [tilespmem:s23+$0x14D0]  }
0x4b: {  	v1 =	vld [tilespmem:s22+$0x10];
	_ =	sdelay $0x4  }
0x4c: {  	v0 =	vadd.f32 v1, v0;
	_ =	sdelay $0x1  }
0x4d: {  	[tilespmem:s23+$0x14D0] =	vst v0;
	v0 =	vld [tilespmem:s23+$0x10E0]  }
0x4e: {  	v1 =	vld [tilespmem:s21+$0x20];
	_ =	sdelay $0x4  }
0x4f: {  	v0 =	vadd.f32 v1, v0;
	_ =	sdelay $0x1  }
0x50: {  	[tilespmem:s23+$0x10E0] =	vst v0;
	v0 =	vld [tilespmem:s23+$0x14E0]  }
0x51: {  	v1 =	vld [tilespmem:s22+$0x20];
	_ =	sdelay $0x4  }
0x52: {  	v0 =	vadd.f32 v1, v0;
	_ =	sdelay $0x1  }
0x53: {  	[tilespmem:s23+$0x14E0] =	vst v0;
	v0 =	vld [tilespmem:s23+$0x10F0]  }
0x54: {  	v1 =	vld [tilespmem:s21+$0x30];
	_ =	sdelay $0x4  }
0x55: {  	v0 =	vadd.f32 v1, v0;
	_ =	sdelay $0x1  }
0x56: {  	[tilespmem:s23+$0x10F0] =	vst v0;
	v0 =	vld [tilespmem:s23+$0x14F0]  }
0x57: {  	v1 =	vld [tilespmem:s22+$0x30];
	_ =	sdelay $0x3  }
0x58: {  	s25 =	simm.s32 $0x100;
	s24 =	simm.s32 $0x80  }
0x59: {  	s25 =	sand.u32 $0x800, s25;
	s26 =	sand.u32 $0x380, s24;
	v0 =	vadd.f32 v1, v0  }
0x5a: {  	s26 =	sor.u32 s26, s25;
	s25 =	simm.s32 $0x200  }
.LBB2_2:
0x5b: {  	p0 =	sne.s32 s25, $0xF00;
	v1 =	vld [tilespmem:s26+$0x1080];
	[tilespmem:s23+$0x14F0] =	vst v0;
	s21 =	sadd.s32 $0x80, s21;
	s23 =	smov.u32 s26  }
0x5c: {  	v0 =	vld [tilespmem:s21+$0xFFFFFFC0];
	_ =	sdelay $0x4  }
0x5d: {  	v0 =	vadd.f32 v0, v1;
	_ =	sdelay $0x1  }
0x5e: {  	s22 =	sadd.s32 $0x80, s22;
	[tilespmem:s23+$0x1080] =	vst v0;
	v0 =	vld [tilespmem:s23+$0x1480]  }
0x5f: {  	v1 =	vld [tilespmem:s22+$0xFFFFFFC0];
	_ =	sdelay $0x4  }
0x60: {  	v0 =	vadd.f32 v1, v0;
	_ =	sdelay $0x1  }
0x61: {  	[tilespmem:s23+$0x1480] =	vst v0;
	v0 =	vld [tilespmem:s23+$0x1090]  }
0x62: {  	v1 =	vld [tilespmem:s21+$0xFFFFFFD0];
	_ =	sdelay $0x4  }
0x63: {  	v0 =	vadd.f32 v1, v0;
	_ =	sdelay $0x1  }
0x64: {  	[tilespmem:s23+$0x1090] =	vst v0;
	v0 =	vld [tilespmem:s23+$0x1490]  }
0x65: {  	v1 =	vld [tilespmem:s22+$0xFFFFFFD0];
	_ =	sdelay $0x4  }
0x66: {  	v0 =	vadd.f32 v1, v0;
	_ =	sdelay $0x1  }
0x67: {  	[tilespmem:s23+$0x1490] =	vst v0;
	v0 =	vld [tilespmem:s23+$0x10A0]  }
0x68: {  	v1 =	vld [tilespmem:s21+$0xFFFFFFE0];
	_ =	sdelay $0x4  }
0x69: {  	v0 =	vadd.f32 v1, v0;
	_ =	sdelay $0x1  }
0x6a: {  	[tilespmem:s23+$0x10A0] =	vst v0;
	v0 =	vld [tilespmem:s23+$0x14A0]  }
0x6b: {  	v1 =	vld [tilespmem:s22+$0xFFFFFFE0];
	_ =	sdelay $0x4  }
0x6c: {  	v0 =	vadd.f32 v1, v0;
	_ =	sdelay $0x1  }
0x6d: {  	[tilespmem:s23+$0x14A0] =	vst v0;
	v0 =	vld [tilespmem:s23+$0x10B0]  }
0x6e: {  	v1 =	vld [tilespmem:s21+$0xFFFFFFF0];
	_ =	sdelay $0x4  }
0x6f: {  	v0 =	vadd.f32 v1, v0;
	_ =	sdelay $0x1  }
0x70: {  	[tilespmem:s23+$0x10B0] =	vst v0;
	v0 =	vld [tilespmem:s23+$0x14B0]  }
0x71: {  	v1 =	vld [tilespmem:s22+$0xFFFFFFF0];
	_ =	sdelay $0x4  }
0x72: {  	v0 =	vadd.f32 v1, v0;
	_ =	sdelay $0x1  }
0x73: {  	[tilespmem:s23+$0x14B0] =	vst v0;
	v0 =	vld [tilespmem:s23+$0x10C0]  }
0x74: {  	v1 =	vld [tilespmem:s21+$0x0];
	_ =	sdelay $0x4  }
0x75: {  	v0 =	vadd.f32 v1, v0;
	_ =	sdelay $0x1  }
0x76: {  	[tilespmem:s23+$0x10C0] =	vst v0;
	v0 =	vld [tilespmem:s23+$0x14C0]  }
0x77: {  	v1 =	vld [tilespmem:s22+$0x0];
	_ =	sdelay $0x4  }
0x78: {  	v0 =	vadd.f32 v1, v0;
	_ =	sdelay $0x1  }
0x79: {  	[tilespmem:s23+$0x14C0] =	vst v0;
	v0 =	vld [tilespmem:s23+$0x10D0]  }
0x7a: {  	v1 =	vld [tilespmem:s21+$0x10];
	_ =	sdelay $0x4  }
0x7b: {  	v0 =	vadd.f32 v1, v0;
	_ =	sdelay $0x1  }
0x7c: {  	[tilespmem:s23+$0x10D0] =	vst v0;
	v0 =	vld [tilespmem:s23+$0x14D0]  }
0x7d: {  	v1 =	vld [tilespmem:s22+$0x10];
	_ =	sdelay $0x4  }
0x7e: {  	v0 =	vadd.f32 v1, v0;
	_ =	sdelay $0x1  }
0x7f: {  	[tilespmem:s23+$0x14D0] =	vst v0;
	v0 =	vld [tilespmem:s23+$0x10E0]  }
0x80: {  	v1 =	vld [tilespmem:s21+$0x20];
	_ =	sdelay $0x4  }
0x81: {  	v0 =	vadd.f32 v1, v0;
	_ =	sdelay $0x1  }
0x82: {  	[tilespmem:s23+$0x10E0] =	vst v0;
	v0 =	vld [tilespmem:s23+$0x14E0]  }
0x83: {  	v1 =	vld [tilespmem:s22+$0x20];
	_ =	sdelay $0x4  }
0x84: {  	v0 =	vadd.f32 v1, v0;
	_ =	sdelay $0x1  }
0x85: {  	[tilespmem:s23+$0x14E0] =	vst v0;
	v0 =	vld [tilespmem:s23+$0x10F0]  }
0x86: {  	v1 =	vld [tilespmem:s21+$0x30];
	_ =	sdelay $0x4  }
0x87: {  	v0 =	vadd.f32 v1, v0;
	_ =	sdelay $0x1  }
0x88: {  	[tilespmem:s23+$0x10F0] =	vst v0;
	v0 =	vld [tilespmem:s23+$0x14F0]  }
0x89: {  	v1 =	vld [tilespmem:s22+$0x30];
	_ =	sdelay $0x1  }
.Ltmp0:
0x8a: {  	(pc) =	sbr.rel @p0 .LBB2_2-.Ltmp0, $4  }
0x8b: {  	_ = 	snop  }
0x8c: {  	s24 =	sadd.s32 $0x80, s24  }
0x8d: {  	s26 =	sand.u32 $0x800, s25;
	s28 =	sand.u32 $0x380, s24;
	v0 =	vadd.f32 v1, v0  }
0x8e: {  	s25 =	sadd.s32 $0x100, s25;
	s26 =	sor.u32 s28, s26  }
0x8f: {  	v1 =	vld [tilespmem:s26+$0x1080];
	[tilespmem:s23+$0x14F0] =	vst v0;
	s21 =	sadd.s32 $0x80, s21  }
0x90: {  	v0 =	vld [tilespmem:s21+$0xFFFFFFC0];
	_ =	sdelay $0x4  }
0x91: {  	v0 =	vadd.f32 v0, v1;
	_ =	sdelay $0x1  }
0x92: {  	v34 =	vld [tilespmem:s26+$0x1480];
	s22 =	sadd.s32 $0x80, s22;
	[tilespmem:s26+$0x1080] =	vst v0  }
0x93: {  	v35 =	vld [tilespmem:s22+$0xFFFFFFC0];
	_ =	sdelay $0x4  }
0x94: {  	v0 =	vadd.f32 v35, v34;
	_ =	sdelay $0x1  }
0x95: {  	v36 =	vld [tilespmem:s26+$0x1090];
	[tilespmem:s26+$0x1480] =	vst v0  }
0x96: {  	v37 =	vld [tilespmem:s21+$0xFFFFFFD0];
	_ =	sdelay $0x4  }
0x97: {  	v0 =	vadd.f32 v37, v36;
	_ =	sdelay $0x1  }
0x98: {  	v38 =	vld [tilespmem:s26+$0x1490];
	[tilespmem:s26+$0x1090] =	vst v0  }
0x99: {  	v39 =	vld [tilespmem:s22+$0xFFFFFFD0];
	_ =	sdelay $0x4  }
0x9a: {  	v0 =	vadd.f32 v39, v38;
	_ =	sdelay $0x1  }
0x9b: {  	v40 =	vld [tilespmem:s26+$0x10A0];
	[tilespmem:s26+$0x1490] =	vst v0  }
0x9c: {  	v41 =	vld [tilespmem:s21+$0xFFFFFFE0];
	_ =	sdelay $0x4  }
0x9d: {  	v0 =	vadd.f32 v41, v40;
	_ =	sdelay $0x1  }
0x9e: {  	v42 =	vld [tilespmem:s26+$0x14A0];
	[tilespmem:s26+$0x10A0] =	vst v0  }
0x9f: {  	v43 =	vld [tilespmem:s22+$0xFFFFFFE0];
	_ =	sdelay $0x4  }
0xa0: {  	v0 =	vadd.f32 v43, v42;
	_ =	sdelay $0x1  }
0xa1: {  	v44 =	vld [tilespmem:s26+$0x10B0];
	[tilespmem:s26+$0x14A0] =	vst v0  }
0xa2: {  	v45 =	vld [tilespmem:s21+$0xFFFFFFF0];
	_ =	sdelay $0x4  }
0xa3: {  	v0 =	vadd.f32 v45, v44;
	_ =	sdelay $0x1  }
0xa4: {  	v46 =	vld [tilespmem:s26+$0x14B0];
	[tilespmem:s26+$0x10B0] =	vst v0  }
0xa5: {  	v47 =	vld [tilespmem:s22+$0xFFFFFFF0];
	_ =	sdelay $0x4  }
0xa6: {  	v0 =	vadd.f32 v47, v46;
	_ =	sdelay $0x1  }
0xa7: {  	v48 =	vld [tilespmem:s26+$0x10C0];
	[tilespmem:s26+$0x14B0] =	vst v0  }
0xa8: {  	v49 =	vld [tilespmem:s21+$0x0];
	_ =	sdelay $0x4  }
0xa9: {  	v0 =	vadd.f32 v49, v48;
	_ =	sdelay $0x1  }
0xaa: {  	v50 =	vld [tilespmem:s26+$0x14C0];
	[tilespmem:s26+$0x10C0] =	vst v0  }
0xab: {  	v51 =	vld [tilespmem:s22+$0x0];
	_ =	sdelay $0x4  }
0xac: {  	v0 =	vadd.f32 v51, v50;
	_ =	sdelay $0x1  }
0xad: {  	v52 =	vld [tilespmem:s26+$0x10D0];
	[tilespmem:s26+$0x14C0] =	vst v0  }
0xae: {  	v53 =	vld [tilespmem:s21+$0x10];
	_ =	sdelay $0x4  }
0xaf: {  	v0 =	vadd.f32 v53, v52;
	_ =	sdelay $0x1  }
0xb0: {  	v54 =	vld [tilespmem:s26+$0x14D0];
	[tilespmem:s26+$0x10D0] =	vst v0  }
0xb1: {  	v55 =	vld [tilespmem:s22+$0x10];
	_ =	sdelay $0x4  }
0xb2: {  	v0 =	vadd.f32 v55, v54;
	_ =	sdelay $0x1  }
0xb3: {  	v56 =	vld [tilespmem:s26+$0x10E0];
	[tilespmem:s26+$0x14D0] =	vst v0  }
0xb4: {  	v57 =	vld [tilespmem:s21+$0x20];
	_ =	sdelay $0x4  }
0xb5: {  	v0 =	vadd.f32 v57, v56;
	_ =	sdelay $0x1  }
0xb6: {  	v58 =	vld [tilespmem:s26+$0x14E0];
	[tilespmem:s26+$0x10E0] =	vst v0  }
0xb7: {  	v59 =	vld [tilespmem:s22+$0x20];
	_ =	sdelay $0x4  }
0xb8: {  	v0 =	vadd.f32 v59, v58;
	_ =	sdelay $0x1  }
0xb9: {  	v60 =	vld [tilespmem:s26+$0x10F0];
	[tilespmem:s26+$0x14E0] =	vst v0  }
0xba: {  	v61 =	vld [tilespmem:s21+$0x30];
	_ =	sdelay $0x4  }
0xbb: {  	v0 =	vadd.f32 v61, v60;
	_ =	sdelay $0x1  }
0xbc: {  	v62 =	vld [tilespmem:s26+$0x14F0];
	[tilespmem:s26+$0x10F0] =	vst v0  }
0xbd: {  	v63 =	vld [tilespmem:s22+$0x30];
	_ =	sdelay $0x4  }
0xbe: {  	s20 =	sadd.s32 $0x1, s20;
	v0 =	vadd.f32 v63, v62  }
0xbf: {  	p0 =	sne.s32 s20, s9  }
.Ltmp1:
0xc0: {  	[tilespmem:s26+$0x14F0] =	vst v0;
	(pc) =	sbr.rel @p0 .LBB2_1-.Ltmp1, $4  }
0xc1: {  	[hbm4b:s8+s4] =	stream.linear.scatter [tilespmem:s14], [sflag:$0x1], $0x1000, $0x38;
	[tilespmem:$0x2080] =	vst v63  }
0xc2: {  	_ =	swait.ge [sflag:s10], $0x1000  }
0xc3: {  	[sflag:s10] =	ssyncset.done $0x0  }
0xc4: {  	[sflag:s10] =	ssyncadd.s32 $0xFFFFF000  }
0xc5: {  	_ =	sfence.sel $0x180000  }
0xc6: {  	[bflag:$0x0] =	sbarrier.arrive $0xFFFF  }
0xc7: {  	p0 =	sne.s32 s3, $0x0;
	_ =	strace $0x90000047  }
0xc8: {  	s0 =	sadd.s32 @!p0 $0x100000, s0;
	[bflag:$0x2] =	sbarrier.arrive $0xFFFF  }
0xc9: {  	[sflag:s0] =	ssyncadd.tile.s32 @!p0 $0x1;
	_ =	shalt  }
.Lfunc_end2:
_tile_overlayer_lowered:
.L_overlay_start_2:
0xca: {  	(tag) =	ssettag $0x2  }
0xcb: {  	s0 =	rddreg [dreg:$0x0];
	s2 =	stileid.u32  }
0xcc: {  	s1 =	rddreg [dreg:$0x1];
	p0 =	sne.s32 s2, $0x0  }
0xcd: {  	s3 =	rddreg [dreg:$0x2];
	[bflag:$0x3] =	sbarrier.arrive $0xFFFF;
	s2 =	simm.s32 @!p0 $0x1C01  }
0xce: {  	[timem:s3], [sflag:s2] =	dma.local @!p0 [hbm:s0], s1  }
0xcf: {  	s0 =	simm.s32 @!p0 $0x1  }
0xd0: {  	_ =	swait.ge @!p0 [sflag:s0], s1  }
0xd1: {  	s1 =	ssub.s32 @!p0 $0x0, s1;
	[sflag:s0] =	ssyncset.done @!p0 $0x0  }
0xd2: {  	[sflag:s0] =	ssyncadd.s32 @!p0 s1  }
0xd3: {  	[bflag:$0x3] =	sbarrier.arrive $0xFFFF  }
0xd4: {  	_ =	shalt  }

</sc_bundles>
